<compile_context>
chip_gen: v7x
topology: tpu7x:2x2x1
jax: 0.10.2.dev20260603
libtpu: 0.0.44.dev20260713+nightly
codegen_flags: <defaults>
</compile_context>

<pallas_src>
import functools

import jax
import jax.numpy as jnp
from jax import lax
from jax.experimental import pallas as pl
from jax.experimental.pallas import tpu as pltpu
from jax.experimental.pallas import tpu_sc as plsc

B, L, D = 4096, 50, 128
N = B * L
NC, NS = 2, 16
NW = NC * NS
CHUNK = 64
CPW = N // NW // CHUNK
NB = 10
G = CPW // NB


def _gather_body(idx_hbm, table_hbm, out_hbm, idx_v, rows_v, *sems):
    sem_g = sems[:NB]
    sem_s = sems[NB:]
    wid = lax.axis_index("s") * NC + lax.axis_index("c")
    base_chunk = wid * CPW

    pltpu.sync_copy(idx_hbm.at[wid], idx_v)

    def gather(j, b):
        return pltpu.make_async_copy(
            table_hbm.at[idx_v.at[j]],
            rows_v.at[pl.ds(b * CHUNK, CHUNK)],
            sem_g[b])

    def scatter(j, b):
        return pltpu.make_async_copy(
            rows_v.at[pl.ds(b * CHUNK, CHUNK)],
            out_hbm.at[pl.ds((base_chunk + j) * CHUNK, CHUNK)],
            sem_s[b])

    for b in range(NB):
        gather(b, b).start()

    def body(g, carry):
        for b in range(NB):
            j = g * NB + b
            gather(j, b).wait()
            scatter(j, b).start()
        for b in range(NB):
            j = g * NB + b
            scatter(j, b).wait()
            gather(j + NB, b).start()
        return carry

    lax.fori_loop(0, G - 1, body, 0)

    for b in range(NB):
        j = (G - 1) * NB + b
        gather(j, b).wait()
        scatter(j, b).start()
    for b in range(NB):
        scatter((G - 1) * NB + b, b).wait()


_gather = functools.partial(
    pl.kernel,
    mesh=plsc.VectorSubcoreMesh(core_axis_name="c", subcore_axis_name="s"),
    out_type=jax.ShapeDtypeStruct((N, D), jnp.float32),
    scratch_types=(
        [pltpu.VMEM((CPW, CHUNK), jnp.int32),
         pltpu.VMEM((NB * CHUNK, D), jnp.float32)]
        + [pltpu.SemaphoreType.DMA] * (2 * NB)
    ),
)(_gather_body)


def kernel(x, table):
    idx = x.T.reshape(NW, CPW, CHUNK).astype(jnp.int32)
    out = _gather(idx, table)
    return out.reshape(L, B, D).transpose(1, 0, 2)

# --- scband reference (transcript-rebuilt; emitter-appended) ---
"""Pipeline reference for scband-simplified-expert-23957327577731 (READ-ONLY COPY).

The authoritative reference and input builder live on the scoring server;
editing this copy changes nothing except your own understanding.
"""

import jax, jax.numpy as jnp
import numpy as np


def setup_inputs(seed: int = 0) -> dict:
    key = jax.random.key(seed)
    k1, k2 = jax.random.split(key)
    x = jax.random.randint(k1, (4096, 50), 0, 1000000, dtype=jnp.int64 if jax.config.read('jax_enable_x64') else jnp.int32)
    table = jax.random.normal(k2, (1000000, 128), dtype=jnp.float32)
    table = table.at[0].set(0.0)  # padding_idx=0 row is zero
    return {"x": x, "table": table}


def reference(x, table):
    # nn.Embedding(vocab_size, d_model, padding_idx=0): gather rows; row 0 is padding (zero).
    # Enforce padding row zero as torch does structurally.
    t = table.at[0].set(0.0)
    emb = jnp.take(t, x, axis=0)  # [B, L, d_model]
    # nn.Dropout in eval mode is identity.
    return emb

if __name__ == "__main__":
    import jax
    _d = setup_inputs()
    print(jax.jit(kernel)(*tuple(_d.values())))

</pallas_src>

<mosaic_0001>
#map = affine_map<(d0, d1) -> (0, 0, 0)>
#map1 = affine_map<(d0, d1) -> (0, 0)>
module attributes {stable_mosaic.version = 14 : i64} {
  func.func @_gather_body(%arg0: i32, %arg1: i32, %arg2: memref<32x100x64xi32, #tpu.memory_space<hbm>>, %arg3: memref<1000000x128xf32, #tpu.memory_space<hbm>>, %arg4: memref<204800x128xf32, #tpu.memory_space<hbm>>, %arg5: memref<100x64xi32, #tpu.memory_space<vmem>>, %arg6: memref<640x128xf32, #tpu.memory_space<vmem>>, %arg7: memref<!tpu.dma_semaphore, #tpu.memory_space<semaphore_mem>>, %arg8: memref<!tpu.dma_semaphore, #tpu.memory_space<semaphore_mem>>, %arg9: memref<!tpu.dma_semaphore, #tpu.memory_space<semaphore_mem>>, %arg10: memref<!tpu.dma_semaphore, #tpu.memory_space<semaphore_mem>>, %arg11: memref<!tpu.dma_semaphore, #tpu.memory_space<semaphore_mem>>, %arg12: memref<!tpu.dma_semaphore, #tpu.memory_space<semaphore_mem>>, %arg13: memref<!tpu.dma_semaphore, #tpu.memory_space<semaphore_mem>>, %arg14: memref<!tpu.dma_semaphore, #tpu.memory_space<semaphore_mem>>, %arg15: memref<!tpu.dma_semaphore, #tpu.memory_space<semaphore_mem>>, %arg16: memref<!tpu.dma_semaphore, #tpu.memory_space<semaphore_mem>>, %arg17: memref<!tpu.dma_semaphore, #tpu.memory_space<semaphore_mem>>, %arg18: memref<!tpu.dma_semaphore, #tpu.memory_space<semaphore_mem>>, %arg19: memref<!tpu.dma_semaphore, #tpu.memory_space<semaphore_mem>>, %arg20: memref<!tpu.dma_semaphore, #tpu.memory_space<semaphore_mem>>, %arg21: memref<!tpu.dma_semaphore, #tpu.memory_space<semaphore_mem>>, %arg22: memref<!tpu.dma_semaphore, #tpu.memory_space<semaphore_mem>>, %arg23: memref<!tpu.dma_semaphore, #tpu.memory_space<semaphore_mem>>, %arg24: memref<!tpu.dma_semaphore, #tpu.memory_space<semaphore_mem>>, %arg25: memref<!tpu.dma_semaphore, #tpu.memory_space<semaphore_mem>>, %arg26: memref<!tpu.dma_semaphore, #tpu.memory_space<semaphore_mem>>) attributes {dimension_semantics = [#tpu.dimension_semantics<core_parallel>, #tpu.dimension_semantics<subcore_parallel>], iteration_bounds = array<i64: 2, 16>, scalar_prefetch = 0 : i64, scratch_operands = 22 : i64, tpu.core_type = #tpu.core_type<sc_vector_subcore>, window_params = [{transform_indices = #map}, {transform_indices = #map1}, {transform_indices = #map1}]} {
    %mul3A = arith.constant 2 : i32
    %mul3A_0 = arith.muli %arg1, %mul3A : i32
    %add3A = arith.addi %mul3A_0, %arg0 : i32
    %mul3A_1 = arith.constant 100 : i32
    %mul3A_2 = arith.muli %add3A, %mul3A_1 : i32
    "tpu.region"() ({
      %run_scoped3A = tpu.sem_alloc : memref<!tpu.dma_semaphore, #tpu.memory_space<semaphore_mem>>
      %dma_start3A_486 = arith.constant 0 : i32
      %dma_start3A_487 = arith.constant 0 : i32
      %dma_start3A_488 = tpu.memref_slice %arg2[%add3A, %dma_start3A_486, %dma_start3A_487] : memref<32x100x64xi32, #tpu.memory_space<hbm>> -> memref<1x100x64xi32, #tpu.memory_space<hbm>>
      %dma_start3A_489 = tpu.memref_squeeze %dma_start3A_488 : memref<1x100x64xi32, #tpu.memory_space<hbm>> -> memref<100x64xi32, #tpu.memory_space<hbm>>
      %dma_start3A_490 = arith.constant 0 : i32
      %dma_start3A_491 = arith.constant 0 : i32
      %dma_start3A_492 = tpu.memref_slice %arg2[%add3A, %dma_start3A_490, %dma_start3A_491] : memref<32x100x64xi32, #tpu.memory_space<hbm>> -> memref<1x100x64xi32, #tpu.memory_space<hbm>>
      %dma_start3A_493 = tpu.memref_squeeze %dma_start3A_492 : memref<1x100x64xi32, #tpu.memory_space<hbm>> -> memref<100x64xi32, #tpu.memory_space<hbm>>
      tpu.enqueue_dma source(%dma_start3A_493 : memref<100x64xi32, #tpu.memory_space<hbm>>) target(%arg5 : memref<100x64xi32, #tpu.memory_space<vmem>>) target_semaphore(%run_scoped3A : memref<!tpu.dma_semaphore, #tpu.memory_space<semaphore_mem>>)
      %dma_wait3A_494 = arith.constant 0 : i32
      %dma_wait3A_495 = arith.constant 0 : i32
      %dma_wait3A_496 = tpu.memref_slice %arg2[%add3A, %dma_wait3A_494, %dma_wait3A_495] : memref<32x100x64xi32, #tpu.memory_space<hbm>> -> memref<1x100x64xi32, #tpu.memory_space<hbm>>
      %dma_wait3A_497 = tpu.memref_squeeze %dma_wait3A_496 : memref<1x100x64xi32, #tpu.memory_space<hbm>> -> memref<100x64xi32, #tpu.memory_space<hbm>>
      %dma_wait3A_498 = arith.constant 0 : i32
      %dma_wait3A_499 = arith.constant 0 : i32
      %dma_wait3A_500 = tpu.memref_slice %arg2[%add3A, %dma_wait3A_498, %dma_wait3A_499] : memref<32x100x64xi32, #tpu.memory_space<hbm>> -> memref<1x100x64xi32, #tpu.memory_space<hbm>>
      %dma_wait3A_501 = tpu.memref_squeeze %dma_wait3A_500 : memref<1x100x64xi32, #tpu.memory_space<hbm>> -> memref<100x64xi32, #tpu.memory_space<hbm>>
      tpu.wait_dma2 semaphore(%run_scoped3A : memref<!tpu.dma_semaphore, #tpu.memory_space<semaphore_mem>>) src(%dma_wait3A_501 : memref<100x64xi32, #tpu.memory_space<hbm>>) dst(%arg5 : memref<100x64xi32, #tpu.memory_space<vmem>>)
      tpu.yield
    }) : () -> ()
    %dma_start3A = arith.constant 0 : i32
    %dma_start3A_3 = arith.constant 0 : i32
    %dma_start3A_4 = arith.constant 0 : i32
    %dma_start3A_5 = tpu.memref_slice %arg6[%dma_start3A_3, %dma_start3A_4] : memref<640x128xf32, #tpu.memory_space<vmem>> -> memref<64x128xf32, #tpu.memory_space<vmem>>
    %dma_start3A_6 = arith.constant 0 : i32
    %dma_start3A_7 = tpu.memref_slice %arg5[%dma_start3A, %dma_start3A_6] : memref<100x64xi32, #tpu.memory_space<vmem>> -> memref<1x64xi32, #tpu.memory_space<vmem>>
    %dma_start3A_8 = tpu.memref_squeeze %dma_start3A_7 : memref<1x64xi32, #tpu.memory_space<vmem>> -> memref<64xi32, #tpu.memory_space<vmem>>
    %dma_start3A_9 = arith.constant 0 : i32
    %dma_start3A_10 = arith.constant 0 : i32
    %dma_start3A_11 = tpu.memref_slice %arg3[%dma_start3A_9, %dma_start3A_10] : memref<1000000x128xf32, #tpu.memory_space<hbm>> -> memref<1000000x128xf32, #tpu.memory_space<hbm>>
    tpu.enqueue_indirect_dma source(%dma_start3A_11 : memref<1000000x128xf32, #tpu.memory_space<hbm>>) target(%dma_start3A_5 : memref<64x128xf32, #tpu.memory_space<vmem>>) offsets(%dma_start3A_8 : memref<64xi32, #tpu.memory_space<vmem>>) semaphore(%arg7 : memref<!tpu.dma_semaphore, #tpu.memory_space<semaphore_mem>>)
    %dma_start3A_12 = arith.constant 1 : i32
    %dma_start3A_13 = arith.constant 64 : i32
    %dma_start3A_14 = arith.constant 0 : i32
    %dma_start3A_15 = tpu.memref_slice %arg6[%dma_start3A_13, %dma_start3A_14] : memref<640x128xf32, #tpu.memory_space<vmem>> -> memref<64x128xf32, #tpu.memory_space<vmem>>
    %dma_start3A_16 = arith.constant 0 : i32
    %dma_start3A_17 = tpu.memref_slice %arg5[%dma_start3A_12, %dma_start3A_16] : memref<100x64xi32, #tpu.memory_space<vmem>> -> memref<1x64xi32, #tpu.memory_space<vmem>>
    %dma_start3A_18 = tpu.memref_squeeze %dma_start3A_17 : memref<1x64xi32, #tpu.memory_space<vmem>> -> memref<64xi32, #tpu.memory_space<vmem>>
    %dma_start3A_19 = arith.constant 0 : i32
    %dma_start3A_20 = arith.constant 0 : i32
    %dma_start3A_21 = tpu.memref_slice %arg3[%dma_start3A_19, %dma_start3A_20] : memref<1000000x128xf32, #tpu.memory_space<hbm>> -> memref<1000000x128xf32, #tpu.memory_space<hbm>>
    tpu.enqueue_indirect_dma source(%dma_start3A_21 : memref<1000000x128xf32, #tpu.memory_space<hbm>>) target(%dma_start3A_15 : memref<64x128xf32, #tpu.memory_space<vmem>>) offsets(%dma_start3A_18 : memref<64xi32, #tpu.memory_space<vmem>>) semaphore(%arg8 : memref<!tpu.dma_semaphore, #tpu.memory_space<semaphore_mem>>)
    %dma_start3A_22 = arith.constant 2 : i32
    %dma_start3A_23 = arith.constant 128 : i32
    %dma_start3A_24 = arith.constant 0 : i32
    %dma_start3A_25 = tpu.memref_slice %arg6[%dma_start3A_23, %dma_start3A_24] : memref<640x128xf32, #tpu.memory_space<vmem>> -> memref<64x128xf32, #tpu.memory_space<vmem>>
    %dma_start3A_26 = arith.constant 0 : i32
    %dma_start3A_27 = tpu.memref_slice %arg5[%dma_start3A_22, %dma_start3A_26] : memref<100x64xi32, #tpu.memory_space<vmem>> -> memref<1x64xi32, #tpu.memory_space<vmem>>
    %dma_start3A_28 = tpu.memref_squeeze %dma_start3A_27 : memref<1x64xi32, #tpu.memory_space<vmem>> -> memref<64xi32, #tpu.memory_space<vmem>>
    %dma_start3A_29 = arith.constant 0 : i32
    %dma_start3A_30 = arith.constant 0 : i32
    %dma_start3A_31 = tpu.memref_slice %arg3[%dma_start3A_29, %dma_start3A_30] : memref<1000000x128xf32, #tpu.memory_space<hbm>> -> memref<1000000x128xf32, #tpu.memory_space<hbm>>
    tpu.enqueue_indirect_dma source(%dma_start3A_31 : memref<1000000x128xf32, #tpu.memory_space<hbm>>) target(%dma_start3A_25 : memref<64x128xf32, #tpu.memory_space<vmem>>) offsets(%dma_start3A_28 : memref<64xi32, #tpu.memory_space<vmem>>) semaphore(%arg9 : memref<!tpu.dma_semaphore, #tpu.memory_space<semaphore_mem>>)
    %dma_start3A_32 = arith.constant 3 : i32
    %dma_start3A_33 = arith.constant 192 : i32
    %dma_start3A_34 = arith.constant 0 : i32
    %dma_start3A_35 = tpu.memref_slice %arg6[%dma_start3A_33, %dma_start3A_34] : memref<640x128xf32, #tpu.memory_space<vmem>> -> memref<64x128xf32, #tpu.memory_space<vmem>>
    %dma_start3A_36 = arith.constant 0 : i32
    %dma_start3A_37 = tpu.memref_slice %arg5[%dma_start3A_32, %dma_start3A_36] : memref<100x64xi32, #tpu.memory_space<vmem>> -> memref<1x64xi32, #tpu.memory_space<vmem>>
    %dma_start3A_38 = tpu.memref_squeeze %dma_start3A_37 : memref<1x64xi32, #tpu.memory_space<vmem>> -> memref<64xi32, #tpu.memory_space<vmem>>
    %dma_start3A_39 = arith.constant 0 : i32
    %dma_start3A_40 = arith.constant 0 : i32
    %dma_start3A_41 = tpu.memref_slice %arg3[%dma_start3A_39, %dma_start3A_40] : memref<1000000x128xf32, #tpu.memory_space<hbm>> -> memref<1000000x128xf32, #tpu.memory_space<hbm>>
    tpu.enqueue_indirect_dma source(%dma_start3A_41 : memref<1000000x128xf32, #tpu.memory_space<hbm>>) target(%dma_start3A_35 : memref<64x128xf32, #tpu.memory_space<vmem>>) offsets(%dma_start3A_38 : memref<64xi32, #tpu.memory_space<vmem>>) semaphore(%arg10 : memref<!tpu.dma_semaphore, #tpu.memory_space<semaphore_mem>>)
    %dma_start3A_42 = arith.constant 4 : i32
    %dma_start3A_43 = arith.constant 256 : i32
    %dma_start3A_44 = arith.constant 0 : i32
    %dma_start3A_45 = tpu.memref_slice %arg6[%dma_start3A_43, %dma_start3A_44] : memref<640x128xf32, #tpu.memory_space<vmem>> -> memref<64x128xf32, #tpu.memory_space<vmem>>
    %dma_start3A_46 = arith.constant 0 : i32
    %dma_start3A_47 = tpu.memref_slice %arg5[%dma_start3A_42, %dma_start3A_46] : memref<100x64xi32, #tpu.memory_space<vmem>> -> memref<1x64xi32, #tpu.memory_space<vmem>>
    %dma_start3A_48 = tpu.memref_squeeze %dma_start3A_47 : memref<1x64xi32, #tpu.memory_space<vmem>> -> memref<64xi32, #tpu.memory_space<vmem>>
    %dma_start3A_49 = arith.constant 0 : i32
    %dma_start3A_50 = arith.constant 0 : i32
    %dma_start3A_51 = tpu.memref_slice %arg3[%dma_start3A_49, %dma_start3A_50] : memref<1000000x128xf32, #tpu.memory_space<hbm>> -> memref<1000000x128xf32, #tpu.memory_space<hbm>>
    tpu.enqueue_indirect_dma source(%dma_start3A_51 : memref<1000000x128xf32, #tpu.memory_space<hbm>>) target(%dma_start3A_45 : memref<64x128xf32, #tpu.memory_space<vmem>>) offsets(%dma_start3A_48 : memref<64xi32, #tpu.memory_space<vmem>>) semaphore(%arg11 : memref<!tpu.dma_semaphore, #tpu.memory_space<semaphore_mem>>)
    %dma_start3A_52 = arith.constant 5 : i32
    %dma_start3A_53 = arith.constant 320 : i32
    %dma_start3A_54 = arith.constant 0 : i32
    %dma_start3A_55 = tpu.memref_slice %arg6[%dma_start3A_53, %dma_start3A_54] : memref<640x128xf32, #tpu.memory_space<vmem>> -> memref<64x128xf32, #tpu.memory_space<vmem>>
    %dma_start3A_56 = arith.constant 0 : i32
    %dma_start3A_57 = tpu.memref_slice %arg5[%dma_start3A_52, %dma_start3A_56] : memref<100x64xi32, #tpu.memory_space<vmem>> -> memref<1x64xi32, #tpu.memory_space<vmem>>
    %dma_start3A_58 = tpu.memref_squeeze %dma_start3A_57 : memref<1x64xi32, #tpu.memory_space<vmem>> -> memref<64xi32, #tpu.memory_space<vmem>>
    %dma_start3A_59 = arith.constant 0 : i32
    %dma_start3A_60 = arith.constant 0 : i32
    %dma_start3A_61 = tpu.memref_slice %arg3[%dma_start3A_59, %dma_start3A_60] : memref<1000000x128xf32, #tpu.memory_space<hbm>> -> memref<1000000x128xf32, #tpu.memory_space<hbm>>
    tpu.enqueue_indirect_dma source(%dma_start3A_61 : memref<1000000x128xf32, #tpu.memory_space<hbm>>) target(%dma_start3A_55 : memref<64x128xf32, #tpu.memory_space<vmem>>) offsets(%dma_start3A_58 : memref<64xi32, #tpu.memory_space<vmem>>) semaphore(%arg12 : memref<!tpu.dma_semaphore, #tpu.memory_space<semaphore_mem>>)
    %dma_start3A_62 = arith.constant 6 : i32
    %dma_start3A_63 = arith.constant 384 : i32
    %dma_start3A_64 = arith.constant 0 : i32
    %dma_start3A_65 = tpu.memref_slice %arg6[%dma_start3A_63, %dma_start3A_64] : memref<640x128xf32, #tpu.memory_space<vmem>> -> memref<64x128xf32, #tpu.memory_space<vmem>>
    %dma_start3A_66 = arith.constant 0 : i32
    %dma_start3A_67 = tpu.memref_slice %arg5[%dma_start3A_62, %dma_start3A_66] : memref<100x64xi32, #tpu.memory_space<vmem>> -> memref<1x64xi32, #tpu.memory_space<vmem>>
    %dma_start3A_68 = tpu.memref_squeeze %dma_start3A_67 : memref<1x64xi32, #tpu.memory_space<vmem>> -> memref<64xi32, #tpu.memory_space<vmem>>
    %dma_start3A_69 = arith.constant 0 : i32
    %dma_start3A_70 = arith.constant 0 : i32
    %dma_start3A_71 = tpu.memref_slice %arg3[%dma_start3A_69, %dma_start3A_70] : memref<1000000x128xf32, #tpu.memory_space<hbm>> -> memref<1000000x128xf32, #tpu.memory_space<hbm>>
    tpu.enqueue_indirect_dma source(%dma_start3A_71 : memref<1000000x128xf32, #tpu.memory_space<hbm>>) target(%dma_start3A_65 : memref<64x128xf32, #tpu.memory_space<vmem>>) offsets(%dma_start3A_68 : memref<64xi32, #tpu.memory_space<vmem>>) semaphore(%arg13 : memref<!tpu.dma_semaphore, #tpu.memory_space<semaphore_mem>>)
    %dma_start3A_72 = arith.constant 7 : i32
    %dma_start3A_73 = arith.constant 448 : i32
    %dma_start3A_74 = arith.constant 0 : i32
    %dma_start3A_75 = tpu.memref_slice %arg6[%dma_start3A_73, %dma_start3A_74] : memref<640x128xf32, #tpu.memory_space<vmem>> -> memref<64x128xf32, #tpu.memory_space<vmem>>
    %dma_start3A_76 = arith.constant 0 : i32
    %dma_start3A_77 = tpu.memref_slice %arg5[%dma_start3A_72, %dma_start3A_76] : memref<100x64xi32, #tpu.memory_space<vmem>> -> memref<1x64xi32, #tpu.memory_space<vmem>>
    %dma_start3A_78 = tpu.memref_squeeze %dma_start3A_77 : memref<1x64xi32, #tpu.memory_space<vmem>> -> memref<64xi32, #tpu.memory_space<vmem>>
    %dma_start3A_79 = arith.constant 0 : i32
    %dma_start3A_80 = arith.constant 0 : i32
    %dma_start3A_81 = tpu.memref_slice %arg3[%dma_start3A_79, %dma_start3A_80] : memref<1000000x128xf32, #tpu.memory_space<hbm>> -> memref<1000000x128xf32, #tpu.memory_space<hbm>>
    tpu.enqueue_indirect_dma source(%dma_start3A_81 : memref<1000000x128xf32, #tpu.memory_space<hbm>>) target(%dma_start3A_75 : memref<64x128xf32, #tpu.memory_space<vmem>>) offsets(%dma_start3A_78 : memref<64xi32, #tpu.memory_space<vmem>>) semaphore(%arg14 : memref<!tpu.dma_semaphore, #tpu.memory_space<semaphore_mem>>)
    %dma_start3A_82 = arith.constant 8 : i32
    %dma_start3A_83 = arith.constant 512 : i32
    %dma_start3A_84 = arith.constant 0 : i32
    %dma_start3A_85 = tpu.memref_slice %arg6[%dma_start3A_83, %dma_start3A_84] : memref<640x128xf32, #tpu.memory_space<vmem>> -> memref<64x128xf32, #tpu.memory_space<vmem>>
    %dma_start3A_86 = arith.constant 0 : i32
    %dma_start3A_87 = tpu.memref_slice %arg5[%dma_start3A_82, %dma_start3A_86] : memref<100x64xi32, #tpu.memory_space<vmem>> -> memref<1x64xi32, #tpu.memory_space<vmem>>
    %dma_start3A_88 = tpu.memref_squeeze %dma_start3A_87 : memref<1x64xi32, #tpu.memory_space<vmem>> -> memref<64xi32, #tpu.memory_space<vmem>>
    %dma_start3A_89 = arith.constant 0 : i32
    %dma_start3A_90 = arith.constant 0 : i32
    %dma_start3A_91 = tpu.memref_slice %arg3[%dma_start3A_89, %dma_start3A_90] : memref<1000000x128xf32, #tpu.memory_space<hbm>> -> memref<1000000x128xf32, #tpu.memory_space<hbm>>
    tpu.enqueue_indirect_dma source(%dma_start3A_91 : memref<1000000x128xf32, #tpu.memory_space<hbm>>) target(%dma_start3A_85 : memref<64x128xf32, #tpu.memory_space<vmem>>) offsets(%dma_start3A_88 : memref<64xi32, #tpu.memory_space<vmem>>) semaphore(%arg15 : memref<!tpu.dma_semaphore, #tpu.memory_space<semaphore_mem>>)
    %dma_start3A_92 = arith.constant 9 : i32
    %dma_start3A_93 = arith.constant 576 : i32
    %dma_start3A_94 = arith.constant 0 : i32
    %dma_start3A_95 = tpu.memref_slice %arg6[%dma_start3A_93, %dma_start3A_94] : memref<640x128xf32, #tpu.memory_space<vmem>> -> memref<64x128xf32, #tpu.memory_space<vmem>>
    %dma_start3A_96 = arith.constant 0 : i32
    %dma_start3A_97 = tpu.memref_slice %arg5[%dma_start3A_92, %dma_start3A_96] : memref<100x64xi32, #tpu.memory_space<vmem>> -> memref<1x64xi32, #tpu.memory_space<vmem>>
    %dma_start3A_98 = tpu.memref_squeeze %dma_start3A_97 : memref<1x64xi32, #tpu.memory_space<vmem>> -> memref<64xi32, #tpu.memory_space<vmem>>
    %dma_start3A_99 = arith.constant 0 : i32
    %dma_start3A_100 = arith.constant 0 : i32
    %dma_start3A_101 = tpu.memref_slice %arg3[%dma_start3A_99, %dma_start3A_100] : memref<1000000x128xf32, #tpu.memory_space<hbm>> -> memref<1000000x128xf32, #tpu.memory_space<hbm>>
    tpu.enqueue_indirect_dma source(%dma_start3A_101 : memref<1000000x128xf32, #tpu.memory_space<hbm>>) target(%dma_start3A_95 : memref<64x128xf32, #tpu.memory_space<vmem>>) offsets(%dma_start3A_98 : memref<64xi32, #tpu.memory_space<vmem>>) semaphore(%arg16 : memref<!tpu.dma_semaphore, #tpu.memory_space<semaphore_mem>>)
    %scan3A = arith.constant 0 : i32
    %scan3A_102 = arith.constant 0 : i32
    %scan3A_103 = arith.constant 9 : i32
    %scan3A_104 = arith.addi %scan3A_102, %scan3A_103 : i32
    %scan3A_105 = arith.constant 1 : i32
    scf.for %scan3A_486 = %scan3A_102 to %scan3A_104 step %scan3A_105  : i32 {
      %mul3A_487 = arith.constant 10 : i32
      %mul3A_488 = arith.muli %scan3A_486, %mul3A_487 : i32
      %add3A_489 = arith.constant 0 : i32
      %add3A_490 = arith.addi %mul3A_488, %add3A_489 : i32
      %dma_wait3A_491 = arith.constant 0 : i32
      %dma_wait3A_492 = arith.constant 0 : i32
      %dma_wait3A_493 = tpu.memref_slice %arg6[%dma_wait3A_491, %dma_wait3A_492] : memref<640x128xf32, #tpu.memory_space<vmem>> -> memref<64x128xf32, #tpu.memory_space<vmem>>
      %dma_wait3A_494 = arith.constant 0 : i32
      %dma_wait3A_495 = tpu.memref_slice %arg5[%add3A_490, %dma_wait3A_494] : memref<100x64xi32, #tpu.memory_space<vmem>> -> memref<1x64xi32, #tpu.memory_space<vmem>>
      %dma_wait3A_496 = tpu.memref_squeeze %dma_wait3A_495 : memref<1x64xi32, #tpu.memory_space<vmem>> -> memref<64xi32, #tpu.memory_space<vmem>>
      %dma_wait3A_497 = arith.constant 0 : i32
      %dma_wait3A_498 = arith.constant 0 : i32
      %dma_wait3A_499 = tpu.memref_slice %arg3[%dma_wait3A_497, %dma_wait3A_498] : memref<1000000x128xf32, #tpu.memory_space<hbm>> -> memref<1000000x128xf32, #tpu.memory_space<hbm>>
      tpu.wait_indirect_dma semaphore(%arg7 : memref<!tpu.dma_semaphore, #tpu.memory_space<semaphore_mem>>) src(%dma_wait3A_499 : memref<1000000x128xf32, #tpu.memory_space<hbm>>) dst(%dma_wait3A_493 : memref<64x128xf32, #tpu.memory_space<vmem>>)
      %add3A_500 = arith.addi %mul3A_2, %add3A_490 : i32
      %mul3A_501 = arith.constant 64 : i32
      %mul3A_502 = arith.muli %add3A_500, %mul3A_501 : i32
      %dma_start3A_503 = arith.constant 0 : i32
      %dma_start3A_504 = arith.constant 0 : i32
      %dma_start3A_505 = tpu.memref_slice %arg6[%dma_start3A_503, %dma_start3A_504] : memref<640x128xf32, #tpu.memory_space<vmem>> -> memref<64x128xf32, #tpu.memory_space<vmem>>
      %dma_start3A_506 = arith.constant 0 : i32
      %dma_start3A_507 = tpu.memref_slice %arg4[%mul3A_502, %dma_start3A_506] : memref<204800x128xf32, #tpu.memory_space<hbm>> -> memref<64x128xf32, #tpu.memory_space<hbm>>
      %dma_start3A_508 = arith.constant 0 : i32
      %dma_start3A_509 = tpu.memref_slice %arg4[%mul3A_502, %dma_start3A_508] : memref<204800x128xf32, #tpu.memory_space<hbm>> -> memref<64x128xf32, #tpu.memory_space<hbm>>
      %dma_start3A_510 = arith.constant 0 : i32
      %dma_start3A_511 = arith.constant 0 : i32
      %dma_start3A_512 = tpu.memref_slice %arg6[%dma_start3A_510, %dma_start3A_511] : memref<640x128xf32, #tpu.memory_space<vmem>> -> memref<64x128xf32, #tpu.memory_space<vmem>>
      tpu.enqueue_dma source(%dma_start3A_512 : memref<64x128xf32, #tpu.memory_space<vmem>>) target(%dma_start3A_509 : memref<64x128xf32, #tpu.memory_space<hbm>>) target_semaphore(%arg17 : memref<!tpu.dma_semaphore, #tpu.memory_space<semaphore_mem>>)
      %mul3A_513 = arith.constant 10 : i32
      %mul3A_514 = arith.muli %scan3A_486, %mul3A_513 : i32
      %add3A_515 = arith.constant 1 : i32
      %add3A_516 = arith.addi %mul3A_514, %add3A_515 : i32
      %dma_wait3A_517 = arith.constant 64 : i32
      %dma_wait3A_518 = arith.constant 0 : i32
      %dma_wait3A_519 = tpu.memref_slice %arg6[%dma_wait3A_517, %dma_wait3A_518] : memref<640x128xf32, #tpu.memory_space<vmem>> -> memref<64x128xf32, #tpu.memory_space<vmem>>
      %dma_wait3A_520 = arith.constant 0 : i32
      %dma_wait3A_521 = tpu.memref_slice %arg5[%add3A_516, %dma_wait3A_520] : memref<100x64xi32, #tpu.memory_space<vmem>> -> memref<1x64xi32, #tpu.memory_space<vmem>>
      %dma_wait3A_522 = tpu.memref_squeeze %dma_wait3A_521 : memref<1x64xi32, #tpu.memory_space<vmem>> -> memref<64xi32, #tpu.memory_space<vmem>>
      %dma_wait3A_523 = arith.constant 0 : i32
      %dma_wait3A_524 = arith.constant 0 : i32
      %dma_wait3A_525 = tpu.memref_slice %arg3[%dma_wait3A_523, %dma_wait3A_524] : memref<1000000x128xf32, #tpu.memory_space<hbm>> -> memref<1000000x128xf32, #tpu.memory_space<hbm>>
      tpu.wait_indirect_dma semaphore(%arg8 : memref<!tpu.dma_semaphore, #tpu.memory_space<semaphore_mem>>) src(%dma_wait3A_525 : memref<1000000x128xf32, #tpu.memory_space<hbm>>) dst(%dma_wait3A_519 : memref<64x128xf32, #tpu.memory_space<vmem>>)
      %add3A_526 = arith.addi %mul3A_2, %add3A_516 : i32
      %mul3A_527 = arith.constant 64 : i32
      %mul3A_528 = arith.muli %add3A_526, %mul3A_527 : i32
      %dma_start3A_529 = arith.constant 64 : i32
      %dma_start3A_530 = arith.constant 0 : i32
      %dma_start3A_531 = tpu.memref_slice %arg6[%dma_start3A_529, %dma_start3A_530] : memref<640x128xf32, #tpu.memory_space<vmem>> -> memref<64x128xf32, #tpu.memory_space<vmem>>
      %dma_start3A_532 = arith.constant 0 : i32
      %dma_start3A_533 = tpu.memref_slice %arg4[%mul3A_528, %dma_start3A_532] : memref<204800x128xf32, #tpu.memory_space<hbm>> -> memref<64x128xf32, #tpu.memory_space<hbm>>
      %dma_start3A_534 = arith.constant 0 : i32
      %dma_start3A_535 = tpu.memref_slice %arg4[%mul3A_528, %dma_start3A_534] : memref<204800x128xf32, #tpu.memory_space<hbm>> -> memref<64x128xf32, #tpu.memory_space<hbm>>
      %dma_start3A_536 = arith.constant 64 : i32
      %dma_start3A_537 = arith.constant 0 : i32
      %dma_start3A_538 = tpu.memref_slice %arg6[%dma_start3A_536, %dma_start3A_537] : memref<640x128xf32, #tpu.memory_space<vmem>> -> memref<64x128xf32, #tpu.memory_space<vmem>>
      tpu.enqueue_dma source(%dma_start3A_538 : memref<64x128xf32, #tpu.memory_space<vmem>>) target(%dma_start3A_535 : memref<64x128xf32, #tpu.memory_space<hbm>>) target_semaphore(%arg18 : memref<!tpu.dma_semaphore, #tpu.memory_space<semaphore_mem>>)
      %mul3A_539 = arith.constant 10 : i32
      %mul3A_540 = arith.muli %scan3A_486, %mul3A_539 : i32
      %add3A_541 = arith.constant 2 : i32
      %add3A_542 = arith.addi %mul3A_540, %add3A_541 : i32
      %dma_wait3A_543 = arith.constant 128 : i32
      %dma_wait3A_544 = arith.constant 0 : i32
      %dma_wait3A_545 = tpu.memref_slice %arg6[%dma_wait3A_543, %dma_wait3A_544] : memref<640x128xf32, #tpu.memory_space<vmem>> -> memref<64x128xf32, #tpu.memory_space<vmem>>
      %dma_wait3A_546 = arith.constant 0 : i32
      %dma_wait3A_547 = tpu.memref_slice %arg5[%add3A_542, %dma_wait3A_546] : memref<100x64xi32, #tpu.memory_space<vmem>> -> memref<1x64xi32, #tpu.memory_space<vmem>>
      %dma_wait3A_548 = tpu.memref_squeeze %dma_wait3A_547 : memref<1x64xi32, #tpu.memory_space<vmem>> -> memref<64xi32, #tpu.memory_space<vmem>>
      %dma_wait3A_549 = arith.constant 0 : i32
      %dma_wait3A_550 = arith.constant 0 : i32
      %dma_wait3A_551 = tpu.memref_slice %arg3[%dma_wait3A_549, %dma_wait3A_550] : memref<1000000x128xf32, #tpu.memory_space<hbm>> -> memref<1000000x128xf32, #tpu.memory_space<hbm>>
      tpu.wait_indirect_dma semaphore(%arg9 : memref<!tpu.dma_semaphore, #tpu.memory_space<semaphore_mem>>) src(%dma_wait3A_551 : memref<1000000x128xf32, #tpu.memory_space<hbm>>) dst(%dma_wait3A_545 : memref<64x128xf32, #tpu.memory_space<vmem>>)
      %add3A_552 = arith.addi %mul3A_2, %add3A_542 : i32
      %mul3A_553 = arith.constant 64 : i32
      %mul3A_554 = arith.muli %add3A_552, %mul3A_553 : i32
      %dma_start3A_555 = arith.constant 128 : i32
      %dma_start3A_556 = arith.constant 0 : i32
      %dma_start3A_557 = tpu.memref_slice %arg6[%dma_start3A_555, %dma_start3A_556] : memref<640x128xf32, #tpu.memory_space<vmem>> -> memref<64x128xf32, #tpu.memory_space<vmem>>
      %dma_start3A_558 = arith.constant 0 : i32
      %dma_start3A_559 = tpu.memref_slice %arg4[%mul3A_554, %dma_start3A_558] : memref<204800x128xf32, #tpu.memory_space<hbm>> -> memref<64x128xf32, #tpu.memory_space<hbm>>
      %dma_start3A_560 = arith.constant 0 : i32
      %dma_start3A_561 = tpu.memref_slice %arg4[%mul3A_554, %dma_start3A_560] : memref<204800x128xf32, #tpu.memory_space<hbm>> -> memref<64x128xf32, #tpu.memory_space<hbm>>
      %dma_start3A_562 = arith.constant 128 : i32
      %dma_start3A_563 = arith.constant 0 : i32
      %dma_start3A_564 = tpu.memref_slice %arg6[%dma_start3A_562, %dma_start3A_563] : memref<640x128xf32, #tpu.memory_space<vmem>> -> memref<64x128xf32, #tpu.memory_space<vmem>>
      tpu.enqueue_dma source(%dma_start3A_564 : memref<64x128xf32, #tpu.memory_space<vmem>>) target(%dma_start3A_561 : memref<64x128xf32, #tpu.memory_space<hbm>>) target_semaphore(%arg19 : memref<!tpu.dma_semaphore, #tpu.memory_space<semaphore_mem>>)
      %mul3A_565 = arith.constant 10 : i32
      %mul3A_566 = arith.muli %scan3A_486, %mul3A_565 : i32
      %add3A_567 = arith.constant 3 : i32
      %add3A_568 = arith.addi %mul3A_566, %add3A_567 : i32
      %dma_wait3A_569 = arith.constant 192 : i32
      %dma_wait3A_570 = arith.constant 0 : i32
      %dma_wait3A_571 = tpu.memref_slice %arg6[%dma_wait3A_569, %dma_wait3A_570] : memref<640x128xf32, #tpu.memory_space<vmem>> -> memref<64x128xf32, #tpu.memory_space<vmem>>
      %dma_wait3A_572 = arith.constant 0 : i32
      %dma_wait3A_573 = tpu.memref_slice %arg5[%add3A_568, %dma_wait3A_572] : memref<100x64xi32, #tpu.memory_space<vmem>> -> memref<1x64xi32, #tpu.memory_space<vmem>>
      %dma_wait3A_574 = tpu.memref_squeeze %dma_wait3A_573 : memref<1x64xi32, #tpu.memory_space<vmem>> -> memref<64xi32, #tpu.memory_space<vmem>>
      %dma_wait3A_575 = arith.constant 0 : i32
      %dma_wait3A_576 = arith.constant 0 : i32
      %dma_wait3A_577 = tpu.memref_slice %arg3[%dma_wait3A_575, %dma_wait3A_576] : memref<1000000x128xf32, #tpu.memory_space<hbm>> -> memref<1000000x128xf32, #tpu.memory_space<hbm>>
      tpu.wait_indirect_dma semaphore(%arg10 : memref<!tpu.dma_semaphore, #tpu.memory_space<semaphore_mem>>) src(%dma_wait3A_577 : memref<1000000x128xf32, #tpu.memory_space<hbm>>) dst(%dma_wait3A_571 : memref<64x128xf32, #tpu.memory_space<vmem>>)
      %add3A_578 = arith.addi %mul3A_2, %add3A_568 : i32
      %mul3A_579 = arith.constant 64 : i32
      %mul3A_580 = arith.muli %add3A_578, %mul3A_579 : i32
      %dma_start3A_581 = arith.constant 192 : i32
      %dma_start3A_582 = arith.constant 0 : i32
      %dma_start3A_583 = tpu.memref_slice %arg6[%dma_start3A_581, %dma_start3A_582] : memref<640x128xf32, #tpu.memory_space<vmem>> -> memref<64x128xf32, #tpu.memory_space<vmem>>
      %dma_start3A_584 = arith.constant 0 : i32
      %dma_start3A_585 = tpu.memref_slice %arg4[%mul3A_580, %dma_start3A_584] : memref<204800x128xf32, #tpu.memory_space<hbm>> -> memref<64x128xf32, #tpu.memory_space<hbm>>
      %dma_start3A_586 = arith.constant 0 : i32
      %dma_start3A_587 = tpu.memref_slice %arg4[%mul3A_580, %dma_start3A_586] : memref<204800x128xf32, #tpu.memory_space<hbm>> -> memref<64x128xf32, #tpu.memory_space<hbm>>
      %dma_start3A_588 = arith.constant 192 : i32
      %dma_start3A_589 = arith.constant 0 : i32
      %dma_start3A_590 = tpu.memref_slice %arg6[%dma_start3A_588, %dma_start3A_589] : memref<640x128xf32, #tpu.memory_space<vmem>> -> memref<64x128xf32, #tpu.memory_space<vmem>>
      tpu.enqueue_dma source(%dma_start3A_590 : memref<64x128xf32, #tpu.memory_space<vmem>>) target(%dma_start3A_587 : memref<64x128xf32, #tpu.memory_space<hbm>>) target_semaphore(%arg20 : memref<!tpu.dma_semaphore, #tpu.memory_space<semaphore_mem>>)
      %mul3A_591 = arith.constant 10 : i32
      %mul3A_592 = arith.muli %scan3A_486, %mul3A_591 : i32
      %add3A_593 = arith.constant 4 : i32
      %add3A_594 = arith.addi %mul3A_592, %add3A_593 : i32
      %dma_wait3A_595 = arith.constant 256 : i32
      %dma_wait3A_596 = arith.constant 0 : i32
      %dma_wait3A_597 = tpu.memref_slice %arg6[%dma_wait3A_595, %dma_wait3A_596] : memref<640x128xf32, #tpu.memory_space<vmem>> -> memref<64x128xf32, #tpu.memory_space<vmem>>
      %dma_wait3A_598 = arith.constant 0 : i32
      %dma_wait3A_599 = tpu.memref_slice %arg5[%add3A_594, %dma_wait3A_598] : memref<100x64xi32, #tpu.memory_space<vmem>> -> memref<1x64xi32, #tpu.memory_space<vmem>>
      %dma_wait3A_600 = tpu.memref_squeeze %dma_wait3A_599 : memref<1x64xi32, #tpu.memory_space<vmem>> -> memref<64xi32, #tpu.memory_space<vmem>>
      %dma_wait3A_601 = arith.constant 0 : i32
      %dma_wait3A_602 = arith.constant 0 : i32
      %dma_wait3A_603 = tpu.memref_slice %arg3[%dma_wait3A_601, %dma_wait3A_602] : memref<1000000x128xf32, #tpu.memory_space<hbm>> -> memref<1000000x128xf32, #tpu.memory_space<hbm>>
      tpu.wait_indirect_dma semaphore(%arg11 : memref<!tpu.dma_semaphore, #tpu.memory_space<semaphore_mem>>) src(%dma_wait3A_603 : memref<1000000x128xf32, #tpu.memory_space<hbm>>) dst(%dma_wait3A_597 : memref<64x128xf32, #tpu.memory_space<vmem>>)
      %add3A_604 = arith.addi %mul3A_2, %add3A_594 : i32
      %mul3A_605 = arith.constant 64 : i32
      %mul3A_606 = arith.muli %add3A_604, %mul3A_605 : i32
      %dma_start3A_607 = arith.constant 256 : i32
      %dma_start3A_608 = arith.constant 0 : i32
      %dma_start3A_609 = tpu.memref_slice %arg6[%dma_start3A_607, %dma_start3A_608] : memref<640x128xf32, #tpu.memory_space<vmem>> -> memref<64x128xf32, #tpu.memory_space<vmem>>
      %dma_start3A_610 = arith.constant 0 : i32
      %dma_start3A_611 = tpu.memref_slice %arg4[%mul3A_606, %dma_start3A_610] : memref<204800x128xf32, #tpu.memory_space<hbm>> -> memref<64x128xf32, #tpu.memory_space<hbm>>
      %dma_start3A_612 = arith.constant 0 : i32
      %dma_start3A_613 = tpu.memref_slice %arg4[%mul3A_606, %dma_start3A_612] : memref<204800x128xf32, #tpu.memory_space<hbm>> -> memref<64x128xf32, #tpu.memory_space<hbm>>
      %dma_start3A_614 = arith.constant 256 : i32
      %dma_start3A_615 = arith.constant 0 : i32
      %dma_start3A_616 = tpu.memref_slice %arg6[%dma_start3A_614, %dma_start3A_615] : memref<640x128xf32, #tpu.memory_space<vmem>> -> memref<64x128xf32, #tpu.memory_space<vmem>>
      tpu.enqueue_dma source(%dma_start3A_616 : memref<64x128xf32, #tpu.memory_space<vmem>>) target(%dma_start3A_613 : memref<64x128xf32, #tpu.memory_space<hbm>>) target_semaphore(%arg21 : memref<!tpu.dma_semaphore, #tpu.memory_space<semaphore_mem>>)
      %mul3A_617 = arith.constant 10 : i32
      %mul3A_618 = arith.muli %scan3A_486, %mul3A_617 : i32
      %add3A_619 = arith.constant 5 : i32
      %add3A_620 = arith.addi %mul3A_618, %add3A_619 : i32
      %dma_wait3A_621 = arith.constant 320 : i32
      %dma_wait3A_622 = arith.constant 0 : i32
      %dma_wait3A_623 = tpu.memref_slice %arg6[%dma_wait3A_621, %dma_wait3A_622] : memref<640x128xf32, #tpu.memory_space<vmem>> -> memref<64x128xf32, #tpu.memory_space<vmem>>
      %dma_wait3A_624 = arith.constant 0 : i32
      %dma_wait3A_625 = tpu.memref_slice %arg5[%add3A_620, %dma_wait3A_624] : memref<100x64xi32, #tpu.memory_space<vmem>> -> memref<1x64xi32, #tpu.memory_space<vmem>>
      %dma_wait3A_626 = tpu.memref_squeeze %dma_wait3A_625 : memref<1x64xi32, #tpu.memory_space<vmem>> -> memref<64xi32, #tpu.memory_space<vmem>>
      %dma_wait3A_627 = arith.constant 0 : i32
      %dma_wait3A_628 = arith.constant 0 : i32
      %dma_wait3A_629 = tpu.memref_slice %arg3[%dma_wait3A_627, %dma_wait3A_628] : memref<1000000x128xf32, #tpu.memory_space<hbm>> -> memref<1000000x128xf32, #tpu.memory_space<hbm>>
      tpu.wait_indirect_dma semaphore(%arg12 : memref<!tpu.dma_semaphore, #tpu.memory_space<semaphore_mem>>) src(%dma_wait3A_629 : memref<1000000x128xf32, #tpu.memory_space<hbm>>) dst(%dma_wait3A_623 : memref<64x128xf32, #tpu.memory_space<vmem>>)
      %add3A_630 = arith.addi %mul3A_2, %add3A_620 : i32
      %mul3A_631 = arith.constant 64 : i32
      %mul3A_632 = arith.muli %add3A_630, %mul3A_631 : i32
      %dma_start3A_633 = arith.constant 320 : i32
      %dma_start3A_634 = arith.constant 0 : i32
      %dma_start3A_635 = tpu.memref_slice %arg6[%dma_start3A_633, %dma_start3A_634] : memref<640x128xf32, #tpu.memory_space<vmem>> -> memref<64x128xf32, #tpu.memory_space<vmem>>
      %dma_start3A_636 = arith.constant 0 : i32
      %dma_start3A_637 = tpu.memref_slice %arg4[%mul3A_632, %dma_start3A_636] : memref<204800x128xf32, #tpu.memory_space<hbm>> -> memref<64x128xf32, #tpu.memory_space<hbm>>
      %dma_start3A_638 = arith.constant 0 : i32
      %dma_start3A_639 = tpu.memref_slice %arg4[%mul3A_632, %dma_start3A_638] : memref<204800x128xf32, #tpu.memory_space<hbm>> -> memref<64x128xf32, #tpu.memory_space<hbm>>
      %dma_start3A_640 = arith.constant 320 : i32
      %dma_start3A_641 = arith.constant 0 : i32
      %dma_start3A_642 = tpu.memref_slice %arg6[%dma_start3A_640, %dma_start3A_641] : memref<640x128xf32, #tpu.memory_space<vmem>> -> memref<64x128xf32, #tpu.memory_space<vmem>>
      tpu.enqueue_dma source(%dma_start3A_642 : memref<64x128xf32, #tpu.memory_space<vmem>>) target(%dma_start3A_639 : memref<64x128xf32, #tpu.memory_space<hbm>>) target_semaphore(%arg22 : memref<!tpu.dma_semaphore, #tpu.memory_space<semaphore_mem>>)
      %mul3A_643 = arith.constant 10 : i32
      %mul3A_644 = arith.muli %scan3A_486, %mul3A_643 : i32
      %add3A_645 = arith.constant 6 : i32
      %add3A_646 = arith.addi %mul3A_644, %add3A_645 : i32
      %dma_wait3A_647 = arith.constant 384 : i32
      %dma_wait3A_648 = arith.constant 0 : i32
      %dma_wait3A_649 = tpu.memref_slice %arg6[%dma_wait3A_647, %dma_wait3A_648] : memref<640x128xf32, #tpu.memory_space<vmem>> -> memref<64x128xf32, #tpu.memory_space<vmem>>
      %dma_wait3A_650 = arith.constant 0 : i32
      %dma_wait3A_651 = tpu.memref_slice %arg5[%add3A_646, %dma_wait3A_650] : memref<100x64xi32, #tpu.memory_space<vmem>> -> memref<1x64xi32, #tpu.memory_space<vmem>>
      %dma_wait3A_652 = tpu.memref_squeeze %dma_wait3A_651 : memref<1x64xi32, #tpu.memory_space<vmem>> -> memref<64xi32, #tpu.memory_space<vmem>>
      %dma_wait3A_653 = arith.constant 0 : i32
      %dma_wait3A_654 = arith.constant 0 : i32
      %dma_wait3A_655 = tpu.memref_slice %arg3[%dma_wait3A_653, %dma_wait3A_654] : memref<1000000x128xf32, #tpu.memory_space<hbm>> -> memref<1000000x128xf32, #tpu.memory_space<hbm>>
      tpu.wait_indirect_dma semaphore(%arg13 : memref<!tpu.dma_semaphore, #tpu.memory_space<semaphore_mem>>) src(%dma_wait3A_655 : memref<1000000x128xf32, #tpu.memory_space<hbm>>) dst(%dma_wait3A_649 : memref<64x128xf32, #tpu.memory_space<vmem>>)
      %add3A_656 = arith.addi %mul3A_2, %add3A_646 : i32
      %mul3A_657 = arith.constant 64 : i32
      %mul3A_658 = arith.muli %add3A_656, %mul3A_657 : i32
      %dma_start3A_659 = arith.constant 384 : i32
      %dma_start3A_660 = arith.constant 0 : i32
      %dma_start3A_661 = tpu.memref_slice %arg6[%dma_start3A_659, %dma_start3A_660] : memref<640x128xf32, #tpu.memory_space<vmem>> -> memref<64x128xf32, #tpu.memory_space<vmem>>
      %dma_start3A_662 = arith.constant 0 : i32
      %dma_start3A_663 = tpu.memref_slice %arg4[%mul3A_658, %dma_start3A_662] : memref<204800x128xf32, #tpu.memory_space<hbm>> -> memref<64x128xf32, #tpu.memory_space<hbm>>
      %dma_start3A_664 = arith.constant 0 : i32
      %dma_start3A_665 = tpu.memref_slice %arg4[%mul3A_658, %dma_start3A_664] : memref<204800x128xf32, #tpu.memory_space<hbm>> -> memref<64x128xf32, #tpu.memory_space<hbm>>
      %dma_start3A_666 = arith.constant 384 : i32
      %dma_start3A_667 = arith.constant 0 : i32
      %dma_start3A_668 = tpu.memref_slice %arg6[%dma_start3A_666, %dma_start3A_667] : memref<640x128xf32, #tpu.memory_space<vmem>> -> memref<64x128xf32, #tpu.memory_space<vmem>>
      tpu.enqueue_dma source(%dma_start3A_668 : memref<64x128xf32, #tpu.memory_space<vmem>>) target(%dma_start3A_665 : memref<64x128xf32, #tpu.memory_space<hbm>>) target_semaphore(%arg23 : memref<!tpu.dma_semaphore, #tpu.memory_space<semaphore_mem>>)
      %mul3A_669 = arith.constant 10 : i32
      %mul3A_670 = arith.muli %scan3A_486, %mul3A_669 : i32
      %add3A_671 = arith.constant 7 : i32
      %add3A_672 = arith.addi %mul3A_670, %add3A_671 : i32
      %dma_wait3A_673 = arith.constant 448 : i32
      %dma_wait3A_674 = arith.constant 0 : i32
      %dma_wait3A_675 = tpu.memref_slice %arg6[%dma_wait3A_673, %dma_wait3A_674] : memref<640x128xf32, #tpu.memory_space<vmem>> -> memref<64x128xf32, #tpu.memory_space<vmem>>
      %dma_wait3A_676 = arith.constant 0 : i32
      %dma_wait3A_677 = tpu.memref_slice %arg5[%add3A_672, %dma_wait3A_676] : memref<100x64xi32, #tpu.memory_space<vmem>> -> memref<1x64xi32, #tpu.memory_space<vmem>>
      %dma_wait3A_678 = tpu.memref_squeeze %dma_wait3A_677 : memref<1x64xi32, #tpu.memory_space<vmem>> -> memref<64xi32, #tpu.memory_space<vmem>>
      %dma_wait3A_679 = arith.constant 0 : i32
      %dma_wait3A_680 = arith.constant 0 : i32
      %dma_wait3A_681 = tpu.memref_slice %arg3[%dma_wait3A_679, %dma_wait3A_680] : memref<1000000x128xf32, #tpu.memory_space<hbm>> -> memref<1000000x128xf32, #tpu.memory_space<hbm>>
      tpu.wait_indirect_dma semaphore(%arg14 : memref<!tpu.dma_semaphore, #tpu.memory_space<semaphore_mem>>) src(%dma_wait3A_681 : memref<1000000x128xf32, #tpu.memory_space<hbm>>) dst(%dma_wait3A_675 : memref<64x128xf32, #tpu.memory_space<vmem>>)
      %add3A_682 = arith.addi %mul3A_2, %add3A_672 : i32
      %mul3A_683 = arith.constant 64 : i32
      %mul3A_684 = arith.muli %add3A_682, %mul3A_683 : i32
      %dma_start3A_685 = arith.constant 448 : i32
      %dma_start3A_686 = arith.constant 0 : i32
      %dma_start3A_687 = tpu.memref_slice %arg6[%dma_start3A_685, %dma_start3A_686] : memref<640x128xf32, #tpu.memory_space<vmem>> -> memref<64x128xf32, #tpu.memory_space<vmem>>
      %dma_start3A_688 = arith.constant 0 : i32
      %dma_start3A_689 = tpu.memref_slice %arg4[%mul3A_684, %dma_start3A_688] : memref<204800x128xf32, #tpu.memory_space<hbm>> -> memref<64x128xf32, #tpu.memory_space<hbm>>
      %dma_start3A_690 = arith.constant 0 : i32
      %dma_start3A_691 = tpu.memref_slice %arg4[%mul3A_684, %dma_start3A_690] : memref<204800x128xf32, #tpu.memory_space<hbm>> -> memref<64x128xf32, #tpu.memory_space<hbm>>
      %dma_start3A_692 = arith.constant 448 : i32
      %dma_start3A_693 = arith.constant 0 : i32
      %dma_start3A_694 = tpu.memref_slice %arg6[%dma_start3A_692, %dma_start3A_693] : memref<640x128xf32, #tpu.memory_space<vmem>> -> memref<64x128xf32, #tpu.memory_space<vmem>>
      tpu.enqueue_dma source(%dma_start3A_694 : memref<64x128xf32, #tpu.memory_space<vmem>>) target(%dma_start3A_691 : memref<64x128xf32, #tpu.memory_space<hbm>>) target_semaphore(%arg24 : memref<!tpu.dma_semaphore, #tpu.memory_space<semaphore_mem>>)
      %mul3A_695 = arith.constant 10 : i32
      %mul3A_696 = arith.muli %scan3A_486, %mul3A_695 : i32
      %add3A_697 = arith.constant 8 : i32
      %add3A_698 = arith.addi %mul3A_696, %add3A_697 : i32
      %dma_wait3A_699 = arith.constant 512 : i32
      %dma_wait3A_700 = arith.constant 0 : i32
      %dma_wait3A_701 = tpu.memref_slice %arg6[%dma_wait3A_699, %dma_wait3A_700] : memref<640x128xf32, #tpu.memory_space<vmem>> -> memref<64x128xf32, #tpu.memory_space<vmem>>
      %dma_wait3A_702 = arith.constant 0 : i32
      %dma_wait3A_703 = tpu.memref_slice %arg5[%add3A_698, %dma_wait3A_702] : memref<100x64xi32, #tpu.memory_space<vmem>> -> memref<1x64xi32, #tpu.memory_space<vmem>>
      %dma_wait3A_704 = tpu.memref_squeeze %dma_wait3A_703 : memref<1x64xi32, #tpu.memory_space<vmem>> -> memref<64xi32, #tpu.memory_space<vmem>>
      %dma_wait3A_705 = arith.constant 0 : i32
      %dma_wait3A_706 = arith.constant 0 : i32
      %dma_wait3A_707 = tpu.memref_slice %arg3[%dma_wait3A_705, %dma_wait3A_706] : memref<1000000x128xf32, #tpu.memory_space<hbm>> -> memref<1000000x128xf32, #tpu.memory_space<hbm>>
      tpu.wait_indirect_dma semaphore(%arg15 : memref<!tpu.dma_semaphore, #tpu.memory_space<semaphore_mem>>) src(%dma_wait3A_707 : memref<1000000x128xf32, #tpu.memory_space<hbm>>) dst(%dma_wait3A_701 : memref<64x128xf32, #tpu.memory_space<vmem>>)
      %add3A_708 = arith.addi %mul3A_2, %add3A_698 : i32
      %mul3A_709 = arith.constant 64 : i32
      %mul3A_710 = arith.muli %add3A_708, %mul3A_709 : i32
      %dma_start3A_711 = arith.constant 512 : i32
      %dma_start3A_712 = arith.constant 0 : i32
      %dma_start3A_713 = tpu.memref_slice %arg6[%dma_start3A_711, %dma_start3A_712] : memref<640x128xf32, #tpu.memory_space<vmem>> -> memref<64x128xf32, #tpu.memory_space<vmem>>
      %dma_start3A_714 = arith.constant 0 : i32
      %dma_start3A_715 = tpu.memref_slice %arg4[%mul3A_710, %dma_start3A_714] : memref<204800x128xf32, #tpu.memory_space<hbm>> -> memref<64x128xf32, #tpu.memory_space<hbm>>
      %dma_start3A_716 = arith.constant 0 : i32
      %dma_start3A_717 = tpu.memref_slice %arg4[%mul3A_710, %dma_start3A_716] : memref<204800x128xf32, #tpu.memory_space<hbm>> -> memref<64x128xf32, #tpu.memory_space<hbm>>
      %dma_start3A_718 = arith.constant 512 : i32
      %dma_start3A_719 = arith.constant 0 : i32
      %dma_start3A_720 = tpu.memref_slice %arg6[%dma_start3A_718, %dma_start3A_719] : memref<640x128xf32, #tpu.memory_space<vmem>> -> memref<64x128xf32, #tpu.memory_space<vmem>>
      tpu.enqueue_dma source(%dma_start3A_720 : memref<64x128xf32, #tpu.memory_space<vmem>>) target(%dma_start3A_717 : memref<64x128xf32, #tpu.memory_space<hbm>>) target_semaphore(%arg25 : memref<!tpu.dma_semaphore, #tpu.memory_space<semaphore_mem>>)
      %mul3A_721 = arith.constant 10 : i32
      %mul3A_722 = arith.muli %scan3A_486, %mul3A_721 : i32
      %add3A_723 = arith.constant 9 : i32
      %add3A_724 = arith.addi %mul3A_722, %add3A_723 : i32
      %dma_wait3A_725 = arith.constant 576 : i32
      %dma_wait3A_726 = arith.constant 0 : i32
      %dma_wait3A_727 = tpu.memref_slice %arg6[%dma_wait3A_725, %dma_wait3A_726] : memref<640x128xf32, #tpu.memory_space<vmem>> -> memref<64x128xf32, #tpu.memory_space<vmem>>
      %dma_wait3A_728 = arith.constant 0 : i32
      %dma_wait3A_729 = tpu.memref_slice %arg5[%add3A_724, %dma_wait3A_728] : memref<100x64xi32, #tpu.memory_space<vmem>> -> memref<1x64xi32, #tpu.memory_space<vmem>>
      %dma_wait3A_730 = tpu.memref_squeeze %dma_wait3A_729 : memref<1x64xi32, #tpu.memory_space<vmem>> -> memref<64xi32, #tpu.memory_space<vmem>>
      %dma_wait3A_731 = arith.constant 0 : i32
      %dma_wait3A_732 = arith.constant 0 : i32
      %dma_wait3A_733 = tpu.memref_slice %arg3[%dma_wait3A_731, %dma_wait3A_732] : memref<1000000x128xf32, #tpu.memory_space<hbm>> -> memref<1000000x128xf32, #tpu.memory_space<hbm>>
      tpu.wait_indirect_dma semaphore(%arg16 : memref<!tpu.dma_semaphore, #tpu.memory_space<semaphore_mem>>) src(%dma_wait3A_733 : memref<1000000x128xf32, #tpu.memory_space<hbm>>) dst(%dma_wait3A_727 : memref<64x128xf32, #tpu.memory_space<vmem>>)
      %add3A_734 = arith.addi %mul3A_2, %add3A_724 : i32
      %mul3A_735 = arith.constant 64 : i32
      %mul3A_736 = arith.muli %add3A_734, %mul3A_735 : i32
      %dma_start3A_737 = arith.constant 576 : i32
      %dma_start3A_738 = arith.constant 0 : i32
      %dma_start3A_739 = tpu.memref_slice %arg6[%dma_start3A_737, %dma_start3A_738] : memref<640x128xf32, #tpu.memory_space<vmem>> -> memref<64x128xf32, #tpu.memory_space<vmem>>
      %dma_start3A_740 = arith.constant 0 : i32
      %dma_start3A_741 = tpu.memref_slice %arg4[%mul3A_736, %dma_start3A_740] : memref<204800x128xf32, #tpu.memory_space<hbm>> -> memref<64x128xf32, #tpu.memory_space<hbm>>
      %dma_start3A_742 = arith.constant 0 : i32
      %dma_start3A_743 = tpu.memref_slice %arg4[%mul3A_736, %dma_start3A_742] : memref<204800x128xf32, #tpu.memory_space<hbm>> -> memref<64x128xf32, #tpu.memory_space<hbm>>
      %dma_start3A_744 = arith.constant 576 : i32
      %dma_start3A_745 = arith.constant 0 : i32
      %dma_start3A_746 = tpu.memref_slice %arg6[%dma_start3A_744, %dma_start3A_745] : memref<640x128xf32, #tpu.memory_space<vmem>> -> memref<64x128xf32, #tpu.memory_space<vmem>>
      tpu.enqueue_dma source(%dma_start3A_746 : memref<64x128xf32, #tpu.memory_space<vmem>>) target(%dma_start3A_743 : memref<64x128xf32, #tpu.memory_space<hbm>>) target_semaphore(%arg26 : memref<!tpu.dma_semaphore, #tpu.memory_space<semaphore_mem>>)
      %mul3A_747 = arith.constant 10 : i32
      %mul3A_748 = arith.muli %scan3A_486, %mul3A_747 : i32
      %add3A_749 = arith.constant 0 : i32
      %add3A_750 = arith.addi %mul3A_748, %add3A_749 : i32
      %add3A_751 = arith.addi %mul3A_2, %add3A_750 : i32
      %mul3A_752 = arith.constant 64 : i32
      %mul3A_753 = arith.muli %add3A_751, %mul3A_752 : i32
      %dma_wait3A_754 = arith.constant 0 : i32
      %dma_wait3A_755 = arith.constant 0 : i32
      %dma_wait3A_756 = tpu.memref_slice %arg6[%dma_wait3A_754, %dma_wait3A_755] : memref<640x128xf32, #tpu.memory_space<vmem>> -> memref<64x128xf32, #tpu.memory_space<vmem>>
      %dma_wait3A_757 = arith.constant 0 : i32
      %dma_wait3A_758 = tpu.memref_slice %arg4[%mul3A_753, %dma_wait3A_757] : memref<204800x128xf32, #tpu.memory_space<hbm>> -> memref<64x128xf32, #tpu.memory_space<hbm>>
      %dma_wait3A_759 = arith.constant 0 : i32
      %dma_wait3A_760 = tpu.memref_slice %arg4[%mul3A_753, %dma_wait3A_759] : memref<204800x128xf32, #tpu.memory_space<hbm>> -> memref<64x128xf32, #tpu.memory_space<hbm>>
      %dma_wait3A_761 = arith.constant 0 : i32
      %dma_wait3A_762 = arith.constant 0 : i32
      %dma_wait3A_763 = tpu.memref_slice %arg6[%dma_wait3A_761, %dma_wait3A_762] : memref<640x128xf32, #tpu.memory_space<vmem>> -> memref<64x128xf32, #tpu.memory_space<vmem>>
      tpu.wait_dma2 semaphore(%arg17 : memref<!tpu.dma_semaphore, #tpu.memory_space<semaphore_mem>>) src(%dma_wait3A_763 : memref<64x128xf32, #tpu.memory_space<vmem>>) dst(%dma_wait3A_760 : memref<64x128xf32, #tpu.memory_space<hbm>>)
      %add3A_764 = arith.constant 10 : i32
      %add3A_765 = arith.addi %add3A_750, %add3A_764 : i32
      %dma_start3A_766 = arith.constant 0 : i32
      %dma_start3A_767 = arith.constant 0 : i32
      %dma_start3A_768 = tpu.memref_slice %arg6[%dma_start3A_766, %dma_start3A_767] : memref<640x128xf32, #tpu.memory_space<vmem>> -> memref<64x128xf32, #tpu.memory_space<vmem>>
      %dma_start3A_769 = arith.constant 0 : i32
      %dma_start3A_770 = tpu.memref_slice %arg5[%add3A_765, %dma_start3A_769] : memref<100x64xi32, #tpu.memory_space<vmem>> -> memref<1x64xi32, #tpu.memory_space<vmem>>
      %dma_start3A_771 = tpu.memref_squeeze %dma_start3A_770 : memref<1x64xi32, #tpu.memory_space<vmem>> -> memref<64xi32, #tpu.memory_space<vmem>>
      %dma_start3A_772 = arith.constant 0 : i32
      %dma_start3A_773 = arith.constant 0 : i32
      %dma_start3A_774 = tpu.memref_slice %arg3[%dma_start3A_772, %dma_start3A_773] : memref<1000000x128xf32, #tpu.memory_space<hbm>> -> memref<1000000x128xf32, #tpu.memory_space<hbm>>
      tpu.enqueue_indirect_dma source(%dma_start3A_774 : memref<1000000x128xf32, #tpu.memory_space<hbm>>) target(%dma_start3A_768 : memref<64x128xf32, #tpu.memory_space<vmem>>) offsets(%dma_start3A_771 : memref<64xi32, #tpu.memory_space<vmem>>) semaphore(%arg7 : memref<!tpu.dma_semaphore, #tpu.memory_space<semaphore_mem>>)
      %mul3A_775 = arith.constant 10 : i32
      %mul3A_776 = arith.muli %scan3A_486, %mul3A_775 : i32
      %add3A_777 = arith.constant 1 : i32
      %add3A_778 = arith.addi %mul3A_776, %add3A_777 : i32
      %add3A_779 = arith.addi %mul3A_2, %add3A_778 : i32
      %mul3A_780 = arith.constant 64 : i32
      %mul3A_781 = arith.muli %add3A_779, %mul3A_780 : i32
      %dma_wait3A_782 = arith.constant 64 : i32
      %dma_wait3A_783 = arith.constant 0 : i32
      %dma_wait3A_784 = tpu.memref_slice %arg6[%dma_wait3A_782, %dma_wait3A_783] : memref<640x128xf32, #tpu.memory_space<vmem>> -> memref<64x128xf32, #tpu.memory_space<vmem>>
      %dma_wait3A_785 = arith.constant 0 : i32
      %dma_wait3A_786 = tpu.memref_slice %arg4[%mul3A_781, %dma_wait3A_785] : memref<204800x128xf32, #tpu.memory_space<hbm>> -> memref<64x128xf32, #tpu.memory_space<hbm>>
      %dma_wait3A_787 = arith.constant 0 : i32
      %dma_wait3A_788 = tpu.memref_slice %arg4[%mul3A_781, %dma_wait3A_787] : memref<204800x128xf32, #tpu.memory_space<hbm>> -> memref<64x128xf32, #tpu.memory_space<hbm>>
      %dma_wait3A_789 = arith.constant 64 : i32
      %dma_wait3A_790 = arith.constant 0 : i32
      %dma_wait3A_791 = tpu.memref_slice %arg6[%dma_wait3A_789, %dma_wait3A_790] : memref<640x128xf32, #tpu.memory_space<vmem>> -> memref<64x128xf32, #tpu.memory_space<vmem>>
      tpu.wait_dma2 semaphore(%arg18 : memref<!tpu.dma_semaphore, #tpu.memory_space<semaphore_mem>>) src(%dma_wait3A_791 : memref<64x128xf32, #tpu.memory_space<vmem>>) dst(%dma_wait3A_788 : memref<64x128xf32, #tpu.memory_space<hbm>>)
      %add3A_792 = arith.constant 10 : i32
      %add3A_793 = arith.addi %add3A_778, %add3A_792 : i32
      %dma_start3A_794 = arith.constant 64 : i32
      %dma_start3A_795 = arith.constant 0 : i32
      %dma_start3A_796 = tpu.memref_slice %arg6[%dma_start3A_794, %dma_start3A_795] : memref<640x128xf32, #tpu.memory_space<vmem>> -> memref<64x128xf32, #tpu.memory_space<vmem>>
      %dma_start3A_797 = arith.constant 0 : i32
      %dma_start3A_798 = tpu.memref_slice %arg5[%add3A_793, %dma_start3A_797] : memref<100x64xi32, #tpu.memory_space<vmem>> -> memref<1x64xi32, #tpu.memory_space<vmem>>
      %dma_start3A_799 = tpu.memref_squeeze %dma_start3A_798 : memref<1x64xi32, #tpu.memory_space<vmem>> -> memref<64xi32, #tpu.memory_space<vmem>>
      %dma_start3A_800 = arith.constant 0 : i32
      %dma_start3A_801 = arith.constant 0 : i32
      %dma_start3A_802 = tpu.memref_slice %arg3[%dma_start3A_800, %dma_start3A_801] : memref<1000000x128xf32, #tpu.memory_space<hbm>> -> memref<1000000x128xf32, #tpu.memory_space<hbm>>
      tpu.enqueue_indirect_dma source(%dma_start3A_802 : memref<1000000x128xf32, #tpu.memory_space<hbm>>) target(%dma_start3A_796 : memref<64x128xf32, #tpu.memory_space<vmem>>) offsets(%dma_start3A_799 : memref<64xi32, #tpu.memory_space<vmem>>) semaphore(%arg8 : memref<!tpu.dma_semaphore, #tpu.memory_space<semaphore_mem>>)
      %mul3A_803 = arith.constant 10 : i32
      %mul3A_804 = arith.muli %scan3A_486, %mul3A_803 : i32
      %add3A_805 = arith.constant 2 : i32
      %add3A_806 = arith.addi %mul3A_804, %add3A_805 : i32
      %add3A_807 = arith.addi %mul3A_2, %add3A_806 : i32
      %mul3A_808 = arith.constant 64 : i32
      %mul3A_809 = arith.muli %add3A_807, %mul3A_808 : i32
      %dma_wait3A_810 = arith.constant 128 : i32
      %dma_wait3A_811 = arith.constant 0 : i32
      %dma_wait3A_812 = tpu.memref_slice %arg6[%dma_wait3A_810, %dma_wait3A_811] : memref<640x128xf32, #tpu.memory_space<vmem>> -> memref<64x128xf32, #tpu.memory_space<vmem>>
      %dma_wait3A_813 = arith.constant 0 : i32
      %dma_wait3A_814 = tpu.memref_slice %arg4[%mul3A_809, %dma_wait3A_813] : memref<204800x128xf32, #tpu.memory_space<hbm>> -> memref<64x128xf32, #tpu.memory_space<hbm>>
      %dma_wait3A_815 = arith.constant 0 : i32
      %dma_wait3A_816 = tpu.memref_slice %arg4[%mul3A_809, %dma_wait3A_815] : memref<204800x128xf32, #tpu.memory_space<hbm>> -> memref<64x128xf32, #tpu.memory_space<hbm>>
      %dma_wait3A_817 = arith.constant 128 : i32
      %dma_wait3A_818 = arith.constant 0 : i32
      %dma_wait3A_819 = tpu.memref_slice %arg6[%dma_wait3A_817, %dma_wait3A_818] : memref<640x128xf32, #tpu.memory_space<vmem>> -> memref<64x128xf32, #tpu.memory_space<vmem>>
      tpu.wait_dma2 semaphore(%arg19 : memref<!tpu.dma_semaphore, #tpu.memory_space<semaphore_mem>>) src(%dma_wait3A_819 : memref<64x128xf32, #tpu.memory_space<vmem>>) dst(%dma_wait3A_816 : memref<64x128xf32, #tpu.memory_space<hbm>>)
      %add3A_820 = arith.constant 10 : i32
      %add3A_821 = arith.addi %add3A_806, %add3A_820 : i32
      %dma_start3A_822 = arith.constant 128 : i32
      %dma_start3A_823 = arith.constant 0 : i32
      %dma_start3A_824 = tpu.memref_slice %arg6[%dma_start3A_822, %dma_start3A_823] : memref<640x128xf32, #tpu.memory_space<vmem>> -> memref<64x128xf32, #tpu.memory_space<vmem>>
      %dma_start3A_825 = arith.constant 0 : i32
      %dma_start3A_826 = tpu.memref_slice %arg5[%add3A_821, %dma_start3A_825] : memref<100x64xi32, #tpu.memory_space<vmem>> -> memref<1x64xi32, #tpu.memory_space<vmem>>
      %dma_start3A_827 = tpu.memref_squeeze %dma_start3A_826 : memref<1x64xi32, #tpu.memory_space<vmem>> -> memref<64xi32, #tpu.memory_space<vmem>>
      %dma_start3A_828 = arith.constant 0 : i32
      %dma_start3A_829 = arith.constant 0 : i32
      %dma_start3A_830 = tpu.memref_slice %arg3[%dma_start3A_828, %dma_start3A_829] : memref<1000000x128xf32, #tpu.memory_space<hbm>> -> memref<1000000x128xf32, #tpu.memory_space<hbm>>
      tpu.enqueue_indirect_dma source(%dma_start3A_830 : memref<1000000x128xf32, #tpu.memory_space<hbm>>) target(%dma_start3A_824 : memref<64x128xf32, #tpu.memory_space<vmem>>) offsets(%dma_start3A_827 : memref<64xi32, #tpu.memory_space<vmem>>) semaphore(%arg9 : memref<!tpu.dma_semaphore, #tpu.memory_space<semaphore_mem>>)
      %mul3A_831 = arith.constant 10 : i32
      %mul3A_832 = arith.muli %scan3A_486, %mul3A_831 : i32
      %add3A_833 = arith.constant 3 : i32
      %add3A_834 = arith.addi %mul3A_832, %add3A_833 : i32
      %add3A_835 = arith.addi %mul3A_2, %add3A_834 : i32
      %mul3A_836 = arith.constant 64 : i32
      %mul3A_837 = arith.muli %add3A_835, %mul3A_836 : i32
      %dma_wait3A_838 = arith.constant 192 : i32
      %dma_wait3A_839 = arith.constant 0 : i32
      %dma_wait3A_840 = tpu.memref_slice %arg6[%dma_wait3A_838, %dma_wait3A_839] : memref<640x128xf32, #tpu.memory_space<vmem>> -> memref<64x128xf32, #tpu.memory_space<vmem>>
      %dma_wait3A_841 = arith.constant 0 : i32
      %dma_wait3A_842 = tpu.memref_slice %arg4[%mul3A_837, %dma_wait3A_841] : memref<204800x128xf32, #tpu.memory_space<hbm>> -> memref<64x128xf32, #tpu.memory_space<hbm>>
      %dma_wait3A_843 = arith.constant 0 : i32
      %dma_wait3A_844 = tpu.memref_slice %arg4[%mul3A_837, %dma_wait3A_843] : memref<204800x128xf32, #tpu.memory_space<hbm>> -> memref<64x128xf32, #tpu.memory_space<hbm>>
      %dma_wait3A_845 = arith.constant 192 : i32
      %dma_wait3A_846 = arith.constant 0 : i32
      %dma_wait3A_847 = tpu.memref_slice %arg6[%dma_wait3A_845, %dma_wait3A_846] : memref<640x128xf32, #tpu.memory_space<vmem>> -> memref<64x128xf32, #tpu.memory_space<vmem>>
      tpu.wait_dma2 semaphore(%arg20 : memref<!tpu.dma_semaphore, #tpu.memory_space<semaphore_mem>>) src(%dma_wait3A_847 : memref<64x128xf32, #tpu.memory_space<vmem>>) dst(%dma_wait3A_844 : memref<64x128xf32, #tpu.memory_space<hbm>>)
      %add3A_848 = arith.constant 10 : i32
      %add3A_849 = arith.addi %add3A_834, %add3A_848 : i32
      %dma_start3A_850 = arith.constant 192 : i32
      %dma_start3A_851 = arith.constant 0 : i32
      %dma_start3A_852 = tpu.memref_slice %arg6[%dma_start3A_850, %dma_start3A_851] : memref<640x128xf32, #tpu.memory_space<vmem>> -> memref<64x128xf32, #tpu.memory_space<vmem>>
      %dma_start3A_853 = arith.constant 0 : i32
      %dma_start3A_854 = tpu.memref_slice %arg5[%add3A_849, %dma_start3A_853] : memref<100x64xi32, #tpu.memory_space<vmem>> -> memref<1x64xi32, #tpu.memory_space<vmem>>
      %dma_start3A_855 = tpu.memref_squeeze %dma_start3A_854 : memref<1x64xi32, #tpu.memory_space<vmem>> -> memref<64xi32, #tpu.memory_space<vmem>>
      %dma_start3A_856 = arith.constant 0 : i32
      %dma_start3A_857 = arith.constant 0 : i32
      %dma_start3A_858 = tpu.memref_slice %arg3[%dma_start3A_856, %dma_start3A_857] : memref<1000000x128xf32, #tpu.memory_space<hbm>> -> memref<1000000x128xf32, #tpu.memory_space<hbm>>
      tpu.enqueue_indirect_dma source(%dma_start3A_858 : memref<1000000x128xf32, #tpu.memory_space<hbm>>) target(%dma_start3A_852 : memref<64x128xf32, #tpu.memory_space<vmem>>) offsets(%dma_start3A_855 : memref<64xi32, #tpu.memory_space<vmem>>) semaphore(%arg10 : memref<!tpu.dma_semaphore, #tpu.memory_space<semaphore_mem>>)
      %mul3A_859 = arith.constant 10 : i32
      %mul3A_860 = arith.muli %scan3A_486, %mul3A_859 : i32
      %add3A_861 = arith.constant 4 : i32
      %add3A_862 = arith.addi %mul3A_860, %add3A_861 : i32
      %add3A_863 = arith.addi %mul3A_2, %add3A_862 : i32
      %mul3A_864 = arith.constant 64 : i32
      %mul3A_865 = arith.muli %add3A_863, %mul3A_864 : i32
      %dma_wait3A_866 = arith.constant 256 : i32
      %dma_wait3A_867 = arith.constant 0 : i32
      %dma_wait3A_868 = tpu.memref_slice %arg6[%dma_wait3A_866, %dma_wait3A_867] : memref<640x128xf32, #tpu.memory_space<vmem>> -> memref<64x128xf32, #tpu.memory_space<vmem>>
      %dma_wait3A_869 = arith.constant 0 : i32
      %dma_wait3A_870 = tpu.memref_slice %arg4[%mul3A_865, %dma_wait3A_869] : memref<204800x128xf32, #tpu.memory_space<hbm>> -> memref<64x128xf32, #tpu.memory_space<hbm>>
      %dma_wait3A_871 = arith.constant 0 : i32
      %dma_wait3A_872 = tpu.memref_slice %arg4[%mul3A_865, %dma_wait3A_871] : memref<204800x128xf32, #tpu.memory_space<hbm>> -> memref<64x128xf32, #tpu.memory_space<hbm>>
      %dma_wait3A_873 = arith.constant 256 : i32
      %dma_wait3A_874 = arith.constant 0 : i32
      %dma_wait3A_875 = tpu.memref_slice %arg6[%dma_wait3A_873, %dma_wait3A_874] : memref<640x128xf32, #tpu.memory_space<vmem>> -> memref<64x128xf32, #tpu.memory_space<vmem>>
      tpu.wait_dma2 semaphore(%arg21 : memref<!tpu.dma_semaphore, #tpu.memory_space<semaphore_mem>>) src(%dma_wait3A_875 : memref<64x128xf32, #tpu.memory_space<vmem>>) dst(%dma_wait3A_872 : memref<64x128xf32, #tpu.memory_space<hbm>>)
      %add3A_876 = arith.constant 10 : i32
      %add3A_877 = arith.addi %add3A_862, %add3A_876 : i32
      %dma_start3A_878 = arith.constant 256 : i32
      %dma_start3A_879 = arith.constant 0 : i32
      %dma_start3A_880 = tpu.memref_slice %arg6[%dma_start3A_878, %dma_start3A_879] : memref<640x128xf32, #tpu.memory_space<vmem>> -> memref<64x128xf32, #tpu.memory_space<vmem>>
      %dma_start3A_881 = arith.constant 0 : i32
      %dma_start3A_882 = tpu.memref_slice %arg5[%add3A_877, %dma_start3A_881] : memref<100x64xi32, #tpu.memory_space<vmem>> -> memref<1x64xi32, #tpu.memory_space<vmem>>
      %dma_start3A_883 = tpu.memref_squeeze %dma_start3A_882 : memref<1x64xi32, #tpu.memory_space<vmem>> -> memref<64xi32, #tpu.memory_space<vmem>>
      %dma_start3A_884 = arith.constant 0 : i32
      %dma_start3A_885 = arith.constant 0 : i32
      %dma_start3A_886 = tpu.memref_slice %arg3[%dma_start3A_884, %dma_start3A_885] : memref<1000000x128xf32, #tpu.memory_space<hbm>> -> memref<1000000x128xf32, #tpu.memory_space<hbm>>
      tpu.enqueue_indirect_dma source(%dma_start3A_886 : memref<1000000x128xf32, #tpu.memory_space<hbm>>) target(%dma_start3A_880 : memref<64x128xf32, #tpu.memory_space<vmem>>) offsets(%dma_start3A_883 : memref<64xi32, #tpu.memory_space<vmem>>) semaphore(%arg11 : memref<!tpu.dma_semaphore, #tpu.memory_space<semaphore_mem>>)
      %mul3A_887 = arith.constant 10 : i32
      %mul3A_888 = arith.muli %scan3A_486, %mul3A_887 : i32
      %add3A_889 = arith.constant 5 : i32
      %add3A_890 = arith.addi %mul3A_888, %add3A_889 : i32
      %add3A_891 = arith.addi %mul3A_2, %add3A_890 : i32
      %mul3A_892 = arith.constant 64 : i32
      %mul3A_893 = arith.muli %add3A_891, %mul3A_892 : i32
      %dma_wait3A_894 = arith.constant 320 : i32
      %dma_wait3A_895 = arith.constant 0 : i32
      %dma_wait3A_896 = tpu.memref_slice %arg6[%dma_wait3A_894, %dma_wait3A_895] : memref<640x128xf32, #tpu.memory_space<vmem>> -> memref<64x128xf32, #tpu.memory_space<vmem>>
      %dma_wait3A_897 = arith.constant 0 : i32
      %dma_wait3A_898 = tpu.memref_slice %arg4[%mul3A_893, %dma_wait3A_897] : memref<204800x128xf32, #tpu.memory_space<hbm>> -> memref<64x128xf32, #tpu.memory_space<hbm>>
      %dma_wait3A_899 = arith.constant 0 : i32
      %dma_wait3A_900 = tpu.memref_slice %arg4[%mul3A_893, %dma_wait3A_899] : memref<204800x128xf32, #tpu.memory_space<hbm>> -> memref<64x128xf32, #tpu.memory_space<hbm>>
      %dma_wait3A_901 = arith.constant 320 : i32
      %dma_wait3A_902 = arith.constant 0 : i32
      %dma_wait3A_903 = tpu.memref_slice %arg6[%dma_wait3A_901, %dma_wait3A_902] : memref<640x128xf32, #tpu.memory_space<vmem>> -> memref<64x128xf32, #tpu.memory_space<vmem>>
      tpu.wait_dma2 semaphore(%arg22 : memref<!tpu.dma_semaphore, #tpu.memory_space<semaphore_mem>>) src(%dma_wait3A_903 : memref<64x128xf32, #tpu.memory_space<vmem>>) dst(%dma_wait3A_900 : memref<64x128xf32, #tpu.memory_space<hbm>>)
      %add3A_904 = arith.constant 10 : i32
      %add3A_905 = arith.addi %add3A_890, %add3A_904 : i32
      %dma_start3A_906 = arith.constant 320 : i32
      %dma_start3A_907 = arith.constant 0 : i32
      %dma_start3A_908 = tpu.memref_slice %arg6[%dma_start3A_906, %dma_start3A_907] : memref<640x128xf32, #tpu.memory_space<vmem>> -> memref<64x128xf32, #tpu.memory_space<vmem>>
      %dma_start3A_909 = arith.constant 0 : i32
      %dma_start3A_910 = tpu.memref_slice %arg5[%add3A_905, %dma_start3A_909] : memref<100x64xi32, #tpu.memory_space<vmem>> -> memref<1x64xi32, #tpu.memory_space<vmem>>
      %dma_start3A_911 = tpu.memref_squeeze %dma_start3A_910 : memref<1x64xi32, #tpu.memory_space<vmem>> -> memref<64xi32, #tpu.memory_space<vmem>>
      %dma_start3A_912 = arith.constant 0 : i32
      %dma_start3A_913 = arith.constant 0 : i32
      %dma_start3A_914 = tpu.memref_slice %arg3[%dma_start3A_912, %dma_start3A_913] : memref<1000000x128xf32, #tpu.memory_space<hbm>> -> memref<1000000x128xf32, #tpu.memory_space<hbm>>
      tpu.enqueue_indirect_dma source(%dma_start3A_914 : memref<1000000x128xf32, #tpu.memory_space<hbm>>) target(%dma_start3A_908 : memref<64x128xf32, #tpu.memory_space<vmem>>) offsets(%dma_start3A_911 : memref<64xi32, #tpu.memory_space<vmem>>) semaphore(%arg12 : memref<!tpu.dma_semaphore, #tpu.memory_space<semaphore_mem>>)
      %mul3A_915 = arith.constant 10 : i32
      %mul3A_916 = arith.muli %scan3A_486, %mul3A_915 : i32
      %add3A_917 = arith.constant 6 : i32
      %add3A_918 = arith.addi %mul3A_916, %add3A_917 : i32
      %add3A_919 = arith.addi %mul3A_2, %add3A_918 : i32
      %mul3A_920 = arith.constant 64 : i32
      %mul3A_921 = arith.muli %add3A_919, %mul3A_920 : i32
      %dma_wait3A_922 = arith.constant 384 : i32
      %dma_wait3A_923 = arith.constant 0 : i32
      %dma_wait3A_924 = tpu.memref_slice %arg6[%dma_wait3A_922, %dma_wait3A_923] : memref<640x128xf32, #tpu.memory_space<vmem>> -> memref<64x128xf32, #tpu.memory_space<vmem>>
      %dma_wait3A_925 = arith.constant 0 : i32
      %dma_wait3A_926 = tpu.memref_slice %arg4[%mul3A_921, %dma_wait3A_925] : memref<204800x128xf32, #tpu.memory_space<hbm>> -> memref<64x128xf32, #tpu.memory_space<hbm>>
      %dma_wait3A_927 = arith.constant 0 : i32
      %dma_wait3A_928 = tpu.memref_slice %arg4[%mul3A_921, %dma_wait3A_927] : memref<204800x128xf32, #tpu.memory_space<hbm>> -> memref<64x128xf32, #tpu.memory_space<hbm>>
      %dma_wait3A_929 = arith.constant 384 : i32
      %dma_wait3A_930 = arith.constant 0 : i32
      %dma_wait3A_931 = tpu.memref_slice %arg6[%dma_wait3A_929, %dma_wait3A_930] : memref<640x128xf32, #tpu.memory_space<vmem>> -> memref<64x128xf32, #tpu.memory_space<vmem>>
      tpu.wait_dma2 semaphore(%arg23 : memref<!tpu.dma_semaphore, #tpu.memory_space<semaphore_mem>>) src(%dma_wait3A_931 : memref<64x128xf32, #tpu.memory_space<vmem>>) dst(%dma_wait3A_928 : memref<64x128xf32, #tpu.memory_space<hbm>>)
      %add3A_932 = arith.constant 10 : i32
      %add3A_933 = arith.addi %add3A_918, %add3A_932 : i32
      %dma_start3A_934 = arith.constant 384 : i32
      %dma_start3A_935 = arith.constant 0 : i32
      %dma_start3A_936 = tpu.memref_slice %arg6[%dma_start3A_934, %dma_start3A_935] : memref<640x128xf32, #tpu.memory_space<vmem>> -> memref<64x128xf32, #tpu.memory_space<vmem>>
      %dma_start3A_937 = arith.constant 0 : i32
      %dma_start3A_938 = tpu.memref_slice %arg5[%add3A_933, %dma_start3A_937] : memref<100x64xi32, #tpu.memory_space<vmem>> -> memref<1x64xi32, #tpu.memory_space<vmem>>
      %dma_start3A_939 = tpu.memref_squeeze %dma_start3A_938 : memref<1x64xi32, #tpu.memory_space<vmem>> -> memref<64xi32, #tpu.memory_space<vmem>>
      %dma_start3A_940 = arith.constant 0 : i32
      %dma_start3A_941 = arith.constant 0 : i32
      %dma_start3A_942 = tpu.memref_slice %arg3[%dma_start3A_940, %dma_start3A_941] : memref<1000000x128xf32, #tpu.memory_space<hbm>> -> memref<1000000x128xf32, #tpu.memory_space<hbm>>
      tpu.enqueue_indirect_dma source(%dma_start3A_942 : memref<1000000x128xf32, #tpu.memory_space<hbm>>) target(%dma_start3A_936 : memref<64x128xf32, #tpu.memory_space<vmem>>) offsets(%dma_start3A_939 : memref<64xi32, #tpu.memory_space<vmem>>) semaphore(%arg13 : memref<!tpu.dma_semaphore, #tpu.memory_space<semaphore_mem>>)
      %mul3A_943 = arith.constant 10 : i32
      %mul3A_944 = arith.muli %scan3A_486, %mul3A_943 : i32
      %add3A_945 = arith.constant 7 : i32
      %add3A_946 = arith.addi %mul3A_944, %add3A_945 : i32
      %add3A_947 = arith.addi %mul3A_2, %add3A_946 : i32
      %mul3A_948 = arith.constant 64 : i32
      %mul3A_949 = arith.muli %add3A_947, %mul3A_948 : i32
      %dma_wait3A_950 = arith.constant 448 : i32
      %dma_wait3A_951 = arith.constant 0 : i32
      %dma_wait3A_952 = tpu.memref_slice %arg6[%dma_wait3A_950, %dma_wait3A_951] : memref<640x128xf32, #tpu.memory_space<vmem>> -> memref<64x128xf32, #tpu.memory_space<vmem>>
      %dma_wait3A_953 = arith.constant 0 : i32
      %dma_wait3A_954 = tpu.memref_slice %arg4[%mul3A_949, %dma_wait3A_953] : memref<204800x128xf32, #tpu.memory_space<hbm>> -> memref<64x128xf32, #tpu.memory_space<hbm>>
      %dma_wait3A_955 = arith.constant 0 : i32
      %dma_wait3A_956 = tpu.memref_slice %arg4[%mul3A_949, %dma_wait3A_955] : memref<204800x128xf32, #tpu.memory_space<hbm>> -> memref<64x128xf32, #tpu.memory_space<hbm>>
      %dma_wait3A_957 = arith.constant 448 : i32
      %dma_wait3A_958 = arith.constant 0 : i32
      %dma_wait3A_959 = tpu.memref_slice %arg6[%dma_wait3A_957, %dma_wait3A_958] : memref<640x128xf32, #tpu.memory_space<vmem>> -> memref<64x128xf32, #tpu.memory_space<vmem>>
      tpu.wait_dma2 semaphore(%arg24 : memref<!tpu.dma_semaphore, #tpu.memory_space<semaphore_mem>>) src(%dma_wait3A_959 : memref<64x128xf32, #tpu.memory_space<vmem>>) dst(%dma_wait3A_956 : memref<64x128xf32, #tpu.memory_space<hbm>>)
      %add3A_960 = arith.constant 10 : i32
      %add3A_961 = arith.addi %add3A_946, %add3A_960 : i32
      %dma_start3A_962 = arith.constant 448 : i32
      %dma_start3A_963 = arith.constant 0 : i32
      %dma_start3A_964 = tpu.memref_slice %arg6[%dma_start3A_962, %dma_start3A_963] : memref<640x128xf32, #tpu.memory_space<vmem>> -> memref<64x128xf32, #tpu.memory_space<vmem>>
      %dma_start3A_965 = arith.constant 0 : i32
      %dma_start3A_966 = tpu.memref_slice %arg5[%add3A_961, %dma_start3A_965] : memref<100x64xi32, #tpu.memory_space<vmem>> -> memref<1x64xi32, #tpu.memory_space<vmem>>
      %dma_start3A_967 = tpu.memref_squeeze %dma_start3A_966 : memref<1x64xi32, #tpu.memory_space<vmem>> -> memref<64xi32, #tpu.memory_space<vmem>>
      %dma_start3A_968 = arith.constant 0 : i32
      %dma_start3A_969 = arith.constant 0 : i32
      %dma_start3A_970 = tpu.memref_slice %arg3[%dma_start3A_968, %dma_start3A_969] : memref<1000000x128xf32, #tpu.memory_space<hbm>> -> memref<1000000x128xf32, #tpu.memory_space<hbm>>
      tpu.enqueue_indirect_dma source(%dma_start3A_970 : memref<1000000x128xf32, #tpu.memory_space<hbm>>) target(%dma_start3A_964 : memref<64x128xf32, #tpu.memory_space<vmem>>) offsets(%dma_start3A_967 : memref<64xi32, #tpu.memory_space<vmem>>) semaphore(%arg14 : memref<!tpu.dma_semaphore, #tpu.memory_space<semaphore_mem>>)
      %mul3A_971 = arith.constant 10 : i32
      %mul3A_972 = arith.muli %scan3A_486, %mul3A_971 : i32
      %add3A_973 = arith.constant 8 : i32
      %add3A_974 = arith.addi %mul3A_972, %add3A_973 : i32
      %add3A_975 = arith.addi %mul3A_2, %add3A_974 : i32
      %mul3A_976 = arith.constant 64 : i32
      %mul3A_977 = arith.muli %add3A_975, %mul3A_976 : i32
      %dma_wait3A_978 = arith.constant 512 : i32
      %dma_wait3A_979 = arith.constant 0 : i32
      %dma_wait3A_980 = tpu.memref_slice %arg6[%dma_wait3A_978, %dma_wait3A_979] : memref<640x128xf32, #tpu.memory_space<vmem>> -> memref<64x128xf32, #tpu.memory_space<vmem>>
      %dma_wait3A_981 = arith.constant 0 : i32
      %dma_wait3A_982 = tpu.memref_slice %arg4[%mul3A_977, %dma_wait3A_981] : memref<204800x128xf32, #tpu.memory_space<hbm>> -> memref<64x128xf32, #tpu.memory_space<hbm>>
      %dma_wait3A_983 = arith.constant 0 : i32
      %dma_wait3A_984 = tpu.memref_slice %arg4[%mul3A_977, %dma_wait3A_983] : memref<204800x128xf32, #tpu.memory_space<hbm>> -> memref<64x128xf32, #tpu.memory_space<hbm>>
      %dma_wait3A_985 = arith.constant 512 : i32
      %dma_wait3A_986 = arith.constant 0 : i32
      %dma_wait3A_987 = tpu.memref_slice %arg6[%dma_wait3A_985, %dma_wait3A_986] : memref<640x128xf32, #tpu.memory_space<vmem>> -> memref<64x128xf32, #tpu.memory_space<vmem>>
      tpu.wait_dma2 semaphore(%arg25 : memref<!tpu.dma_semaphore, #tpu.memory_space<semaphore_mem>>) src(%dma_wait3A_987 : memref<64x128xf32, #tpu.memory_space<vmem>>) dst(%dma_wait3A_984 : memref<64x128xf32, #tpu.memory_space<hbm>>)
      %add3A_988 = arith.constant 10 : i32
      %add3A_989 = arith.addi %add3A_974, %add3A_988 : i32
      %dma_start3A_990 = arith.constant 512 : i32
      %dma_start3A_991 = arith.constant 0 : i32
      %dma_start3A_992 = tpu.memref_slice %arg6[%dma_start3A_990, %dma_start3A_991] : memref<640x128xf32, #tpu.memory_space<vmem>> -> memref<64x128xf32, #tpu.memory_space<vmem>>
      %dma_start3A_993 = arith.constant 0 : i32
      %dma_start3A_994 = tpu.memref_slice %arg5[%add3A_989, %dma_start3A_993] : memref<100x64xi32, #tpu.memory_space<vmem>> -> memref<1x64xi32, #tpu.memory_space<vmem>>
      %dma_start3A_995 = tpu.memref_squeeze %dma_start3A_994 : memref<1x64xi32, #tpu.memory_space<vmem>> -> memref<64xi32, #tpu.memory_space<vmem>>
      %dma_start3A_996 = arith.constant 0 : i32
      %dma_start3A_997 = arith.constant 0 : i32
      %dma_start3A_998 = tpu.memref_slice %arg3[%dma_start3A_996, %dma_start3A_997] : memref<1000000x128xf32, #tpu.memory_space<hbm>> -> memref<1000000x128xf32, #tpu.memory_space<hbm>>
      tpu.enqueue_indirect_dma source(%dma_start3A_998 : memref<1000000x128xf32, #tpu.memory_space<hbm>>) target(%dma_start3A_992 : memref<64x128xf32, #tpu.memory_space<vmem>>) offsets(%dma_start3A_995 : memref<64xi32, #tpu.memory_space<vmem>>) semaphore(%arg15 : memref<!tpu.dma_semaphore, #tpu.memory_space<semaphore_mem>>)
      %mul3A_999 = arith.constant 10 : i32
      %mul3A_1000 = arith.muli %scan3A_486, %mul3A_999 : i32
      %add3A_1001 = arith.constant 9 : i32
      %add3A_1002 = arith.addi %mul3A_1000, %add3A_1001 : i32
      %add3A_1003 = arith.addi %mul3A_2, %add3A_1002 : i32
      %mul3A_1004 = arith.constant 64 : i32
      %mul3A_1005 = arith.muli %add3A_1003, %mul3A_1004 : i32
      %dma_wait3A_1006 = arith.constant 576 : i32
      %dma_wait3A_1007 = arith.constant 0 : i32
      %dma_wait3A_1008 = tpu.memref_slice %arg6[%dma_wait3A_1006, %dma_wait3A_1007] : memref<640x128xf32, #tpu.memory_space<vmem>> -> memref<64x128xf32, #tpu.memory_space<vmem>>
      %dma_wait3A_1009 = arith.constant 0 : i32
      %dma_wait3A_1010 = tpu.memref_slice %arg4[%mul3A_1005, %dma_wait3A_1009] : memref<204800x128xf32, #tpu.memory_space<hbm>> -> memref<64x128xf32, #tpu.memory_space<hbm>>
      %dma_wait3A_1011 = arith.constant 0 : i32
      %dma_wait3A_1012 = tpu.memref_slice %arg4[%mul3A_1005, %dma_wait3A_1011] : memref<204800x128xf32, #tpu.memory_space<hbm>> -> memref<64x128xf32, #tpu.memory_space<hbm>>
      %dma_wait3A_1013 = arith.constant 576 : i32
      %dma_wait3A_1014 = arith.constant 0 : i32
      %dma_wait3A_1015 = tpu.memref_slice %arg6[%dma_wait3A_1013, %dma_wait3A_1014] : memref<640x128xf32, #tpu.memory_space<vmem>> -> memref<64x128xf32, #tpu.memory_space<vmem>>
      tpu.wait_dma2 semaphore(%arg26 : memref<!tpu.dma_semaphore, #tpu.memory_space<semaphore_mem>>) src(%dma_wait3A_1015 : memref<64x128xf32, #tpu.memory_space<vmem>>) dst(%dma_wait3A_1012 : memref<64x128xf32, #tpu.memory_space<hbm>>)
      %add3A_1016 = arith.constant 10 : i32
      %add3A_1017 = arith.addi %add3A_1002, %add3A_1016 : i32
      %dma_start3A_1018 = arith.constant 576 : i32
      %dma_start3A_1019 = arith.constant 0 : i32
      %dma_start3A_1020 = tpu.memref_slice %arg6[%dma_start3A_1018, %dma_start3A_1019] : memref<640x128xf32, #tpu.memory_space<vmem>> -> memref<64x128xf32, #tpu.memory_space<vmem>>
      %dma_start3A_1021 = arith.constant 0 : i32
      %dma_start3A_1022 = tpu.memref_slice %arg5[%add3A_1017, %dma_start3A_1021] : memref<100x64xi32, #tpu.memory_space<vmem>> -> memref<1x64xi32, #tpu.memory_space<vmem>>
      %dma_start3A_1023 = tpu.memref_squeeze %dma_start3A_1022 : memref<1x64xi32, #tpu.memory_space<vmem>> -> memref<64xi32, #tpu.memory_space<vmem>>
      %dma_start3A_1024 = arith.constant 0 : i32
      %dma_start3A_1025 = arith.constant 0 : i32
      %dma_start3A_1026 = tpu.memref_slice %arg3[%dma_start3A_1024, %dma_start3A_1025] : memref<1000000x128xf32, #tpu.memory_space<hbm>> -> memref<1000000x128xf32, #tpu.memory_space<hbm>>
      tpu.enqueue_indirect_dma source(%dma_start3A_1026 : memref<1000000x128xf32, #tpu.memory_space<hbm>>) target(%dma_start3A_1020 : memref<64x128xf32, #tpu.memory_space<vmem>>) offsets(%dma_start3A_1023 : memref<64xi32, #tpu.memory_space<vmem>>) semaphore(%arg16 : memref<!tpu.dma_semaphore, #tpu.memory_space<semaphore_mem>>)
    }
    %scan3A_106 = arith.constant 9 : i32
    %dma_wait3A = arith.constant 90 : i32
    %dma_wait3A_107 = arith.constant 0 : i32
    %dma_wait3A_108 = arith.constant 0 : i32
    %dma_wait3A_109 = tpu.memref_slice %arg6[%dma_wait3A_107, %dma_wait3A_108] : memref<640x128xf32, #tpu.memory_space<vmem>> -> memref<64x128xf32, #tpu.memory_space<vmem>>
    %dma_wait3A_110 = arith.constant 0 : i32
    %dma_wait3A_111 = tpu.memref_slice %arg5[%dma_wait3A, %dma_wait3A_110] : memref<100x64xi32, #tpu.memory_space<vmem>> -> memref<1x64xi32, #tpu.memory_space<vmem>>
    %dma_wait3A_112 = tpu.memref_squeeze %dma_wait3A_111 : memref<1x64xi32, #tpu.memory_space<vmem>> -> memref<64xi32, #tpu.memory_space<vmem>>
    %dma_wait3A_113 = arith.constant 0 : i32
    %dma_wait3A_114 = arith.constant 0 : i32
    %dma_wait3A_115 = tpu.memref_slice %arg3[%dma_wait3A_113, %dma_wait3A_114] : memref<1000000x128xf32, #tpu.memory_space<hbm>> -> memref<1000000x128xf32, #tpu.memory_space<hbm>>
    tpu.wait_indirect_dma semaphore(%arg7 : memref<!tpu.dma_semaphore, #tpu.memory_space<semaphore_mem>>) src(%dma_wait3A_115 : memref<1000000x128xf32, #tpu.memory_space<hbm>>) dst(%dma_wait3A_109 : memref<64x128xf32, #tpu.memory_space<vmem>>)
    %add3A_116 = arith.constant 90 : i32
    %add3A_117 = arith.addi %mul3A_2, %add3A_116 : i32
    %mul3A_118 = arith.constant 64 : i32
    %mul3A_119 = arith.muli %add3A_117, %mul3A_118 : i32
    %dma_start3A_120 = arith.constant 0 : i32
    %dma_start3A_121 = arith.constant 0 : i32
    %dma_start3A_122 = tpu.memref_slice %arg6[%dma_start3A_120, %dma_start3A_121] : memref<640x128xf32, #tpu.memory_space<vmem>> -> memref<64x128xf32, #tpu.memory_space<vmem>>
    %dma_start3A_123 = arith.constant 0 : i32
    %dma_start3A_124 = tpu.memref_slice %arg4[%mul3A_119, %dma_start3A_123] : memref<204800x128xf32, #tpu.memory_space<hbm>> -> memref<64x128xf32, #tpu.memory_space<hbm>>
    %dma_start3A_125 = arith.constant 0 : i32
    %dma_start3A_126 = tpu.memref_slice %arg4[%mul3A_119, %dma_start3A_125] : memref<204800x128xf32, #tpu.memory_space<hbm>> -> memref<64x128xf32, #tpu.memory_space<hbm>>
    %dma_start3A_127 = arith.constant 0 : i32
    %dma_start3A_128 = arith.constant 0 : i32
    %dma_start3A_129 = tpu.memref_slice %arg6[%dma_start3A_127, %dma_start3A_128] : memref<640x128xf32, #tpu.memory_space<vmem>> -> memref<64x128xf32, #tpu.memory_space<vmem>>
    tpu.enqueue_dma source(%dma_start3A_129 : memref<64x128xf32, #tpu.memory_space<vmem>>) target(%dma_start3A_126 : memref<64x128xf32, #tpu.memory_space<hbm>>) target_semaphore(%arg17 : memref<!tpu.dma_semaphore, #tpu.memory_space<semaphore_mem>>)
    %dma_wait3A_130 = arith.constant 91 : i32
    %dma_wait3A_131 = arith.constant 64 : i32
    %dma_wait3A_132 = arith.constant 0 : i32
    %dma_wait3A_133 = tpu.memref_slice %arg6[%dma_wait3A_131, %dma_wait3A_132] : memref<640x128xf32, #tpu.memory_space<vmem>> -> memref<64x128xf32, #tpu.memory_space<vmem>>
    %dma_wait3A_134 = arith.constant 0 : i32
    %dma_wait3A_135 = tpu.memref_slice %arg5[%dma_wait3A_130, %dma_wait3A_134] : memref<100x64xi32, #tpu.memory_space<vmem>> -> memref<1x64xi32, #tpu.memory_space<vmem>>
    %dma_wait3A_136 = tpu.memref_squeeze %dma_wait3A_135 : memref<1x64xi32, #tpu.memory_space<vmem>> -> memref<64xi32, #tpu.memory_space<vmem>>
    %dma_wait3A_137 = arith.constant 0 : i32
    %dma_wait3A_138 = arith.constant 0 : i32
    %dma_wait3A_139 = tpu.memref_slice %arg3[%dma_wait3A_137, %dma_wait3A_138] : memref<1000000x128xf32, #tpu.memory_space<hbm>> -> memref<1000000x128xf32, #tpu.memory_space<hbm>>
    tpu.wait_indirect_dma semaphore(%arg8 : memref<!tpu.dma_semaphore, #tpu.memory_space<semaphore_mem>>) src(%dma_wait3A_139 : memref<1000000x128xf32, #tpu.memory_space<hbm>>) dst(%dma_wait3A_133 : memref<64x128xf32, #tpu.memory_space<vmem>>)
    %add3A_140 = arith.constant 91 : i32
    %add3A_141 = arith.addi %mul3A_2, %add3A_140 : i32
    %mul3A_142 = arith.constant 64 : i32
    %mul3A_143 = arith.muli %add3A_141, %mul3A_142 : i32
    %dma_start3A_144 = arith.constant 64 : i32
    %dma_start3A_145 = arith.constant 0 : i32
    %dma_start3A_146 = tpu.memref_slice %arg6[%dma_start3A_144, %dma_start3A_145] : memref<640x128xf32, #tpu.memory_space<vmem>> -> memref<64x128xf32, #tpu.memory_space<vmem>>
    %dma_start3A_147 = arith.constant 0 : i32
    %dma_start3A_148 = tpu.memref_slice %arg4[%mul3A_143, %dma_start3A_147] : memref<204800x128xf32, #tpu.memory_space<hbm>> -> memref<64x128xf32, #tpu.memory_space<hbm>>
    %dma_start3A_149 = arith.constant 0 : i32
    %dma_start3A_150 = tpu.memref_slice %arg4[%mul3A_143, %dma_start3A_149] : memref<204800x128xf32, #tpu.memory_space<hbm>> -> memref<64x128xf32, #tpu.memory_space<hbm>>
    %dma_start3A_151 = arith.constant 64 : i32
    %dma_start3A_152 = arith.constant 0 : i32
    %dma_start3A_153 = tpu.memref_slice %arg6[%dma_start3A_151, %dma_start3A_152] : memref<640x128xf32, #tpu.memory_space<vmem>> -> memref<64x128xf32, #tpu.memory_space<vmem>>
    tpu.enqueue_dma source(%dma_start3A_153 : memref<64x128xf32, #tpu.memory_space<vmem>>) target(%dma_start3A_150 : memref<64x128xf32, #tpu.memory_space<hbm>>) target_semaphore(%arg18 : memref<!tpu.dma_semaphore, #tpu.memory_space<semaphore_mem>>)
    %dma_wait3A_154 = arith.constant 92 : i32
    %dma_wait3A_155 = arith.constant 128 : i32
    %dma_wait3A_156 = arith.constant 0 : i32
    %dma_wait3A_157 = tpu.memref_slice %arg6[%dma_wait3A_155, %dma_wait3A_156] : memref<640x128xf32, #tpu.memory_space<vmem>> -> memref<64x128xf32, #tpu.memory_space<vmem>>
    %dma_wait3A_158 = arith.constant 0 : i32
    %dma_wait3A_159 = tpu.memref_slice %arg5[%dma_wait3A_154, %dma_wait3A_158] : memref<100x64xi32, #tpu.memory_space<vmem>> -> memref<1x64xi32, #tpu.memory_space<vmem>>
    %dma_wait3A_160 = tpu.memref_squeeze %dma_wait3A_159 : memref<1x64xi32, #tpu.memory_space<vmem>> -> memref<64xi32, #tpu.memory_space<vmem>>
    %dma_wait3A_161 = arith.constant 0 : i32
    %dma_wait3A_162 = arith.constant 0 : i32
    %dma_wait3A_163 = tpu.memref_slice %arg3[%dma_wait3A_161, %dma_wait3A_162] : memref<1000000x128xf32, #tpu.memory_space<hbm>> -> memref<1000000x128xf32, #tpu.memory_space<hbm>>
    tpu.wait_indirect_dma semaphore(%arg9 : memref<!tpu.dma_semaphore, #tpu.memory_space<semaphore_mem>>) src(%dma_wait3A_163 : memref<1000000x128xf32, #tpu.memory_space<hbm>>) dst(%dma_wait3A_157 : memref<64x128xf32, #tpu.memory_space<vmem>>)
    %add3A_164 = arith.constant 92 : i32
    %add3A_165 = arith.addi %mul3A_2, %add3A_164 : i32
    %mul3A_166 = arith.constant 64 : i32
    %mul3A_167 = arith.muli %add3A_165, %mul3A_166 : i32
    %dma_start3A_168 = arith.constant 128 : i32
    %dma_start3A_169 = arith.constant 0 : i32
    %dma_start3A_170 = tpu.memref_slice %arg6[%dma_start3A_168, %dma_start3A_169] : memref<640x128xf32, #tpu.memory_space<vmem>> -> memref<64x128xf32, #tpu.memory_space<vmem>>
    %dma_start3A_171 = arith.constant 0 : i32
    %dma_start3A_172 = tpu.memref_slice %arg4[%mul3A_167, %dma_start3A_171] : memref<204800x128xf32, #tpu.memory_space<hbm>> -> memref<64x128xf32, #tpu.memory_space<hbm>>
    %dma_start3A_173 = arith.constant 0 : i32
    %dma_start3A_174 = tpu.memref_slice %arg4[%mul3A_167, %dma_start3A_173] : memref<204800x128xf32, #tpu.memory_space<hbm>> -> memref<64x128xf32, #tpu.memory_space<hbm>>
    %dma_start3A_175 = arith.constant 128 : i32
    %dma_start3A_176 = arith.constant 0 : i32
    %dma_start3A_177 = tpu.memref_slice %arg6[%dma_start3A_175, %dma_start3A_176] : memref<640x128xf32, #tpu.memory_space<vmem>> -> memref<64x128xf32, #tpu.memory_space<vmem>>
    tpu.enqueue_dma source(%dma_start3A_177 : memref<64x128xf32, #tpu.memory_space<vmem>>) target(%dma_start3A_174 : memref<64x128xf32, #tpu.memory_space<hbm>>) target_semaphore(%arg19 : memref<!tpu.dma_semaphore, #tpu.memory_space<semaphore_mem>>)
    %dma_wait3A_178 = arith.constant 93 : i32
    %dma_wait3A_179 = arith.constant 192 : i32
    %dma_wait3A_180 = arith.constant 0 : i32
    %dma_wait3A_181 = tpu.memref_slice %arg6[%dma_wait3A_179, %dma_wait3A_180] : memref<640x128xf32, #tpu.memory_space<vmem>> -> memref<64x128xf32, #tpu.memory_space<vmem>>
    %dma_wait3A_182 = arith.constant 0 : i32
    %dma_wait3A_183 = tpu.memref_slice %arg5[%dma_wait3A_178, %dma_wait3A_182] : memref<100x64xi32, #tpu.memory_space<vmem>> -> memref<1x64xi32, #tpu.memory_space<vmem>>
    %dma_wait3A_184 = tpu.memref_squeeze %dma_wait3A_183 : memref<1x64xi32, #tpu.memory_space<vmem>> -> memref<64xi32, #tpu.memory_space<vmem>>
    %dma_wait3A_185 = arith.constant 0 : i32
    %dma_wait3A_186 = arith.constant 0 : i32
    %dma_wait3A_187 = tpu.memref_slice %arg3[%dma_wait3A_185, %dma_wait3A_186] : memref<1000000x128xf32, #tpu.memory_space<hbm>> -> memref<1000000x128xf32, #tpu.memory_space<hbm>>
    tpu.wait_indirect_dma semaphore(%arg10 : memref<!tpu.dma_semaphore, #tpu.memory_space<semaphore_mem>>) src(%dma_wait3A_187 : memref<1000000x128xf32, #tpu.memory_space<hbm>>) dst(%dma_wait3A_181 : memref<64x128xf32, #tpu.memory_space<vmem>>)
    %add3A_188 = arith.constant 93 : i32
    %add3A_189 = arith.addi %mul3A_2, %add3A_188 : i32
    %mul3A_190 = arith.constant 64 : i32
    %mul3A_191 = arith.muli %add3A_189, %mul3A_190 : i32
    %dma_start3A_192 = arith.constant 192 : i32
    %dma_start3A_193 = arith.constant 0 : i32
    %dma_start3A_194 = tpu.memref_slice %arg6[%dma_start3A_192, %dma_start3A_193] : memref<640x128xf32, #tpu.memory_space<vmem>> -> memref<64x128xf32, #tpu.memory_space<vmem>>
    %dma_start3A_195 = arith.constant 0 : i32
    %dma_start3A_196 = tpu.memref_slice %arg4[%mul3A_191, %dma_start3A_195] : memref<204800x128xf32, #tpu.memory_space<hbm>> -> memref<64x128xf32, #tpu.memory_space<hbm>>
    %dma_start3A_197 = arith.constant 0 : i32
    %dma_start3A_198 = tpu.memref_slice %arg4[%mul3A_191, %dma_start3A_197] : memref<204800x128xf32, #tpu.memory_space<hbm>> -> memref<64x128xf32, #tpu.memory_space<hbm>>
    %dma_start3A_199 = arith.constant 192 : i32
    %dma_start3A_200 = arith.constant 0 : i32
    %dma_start3A_201 = tpu.memref_slice %arg6[%dma_start3A_199, %dma_start3A_200] : memref<640x128xf32, #tpu.memory_space<vmem>> -> memref<64x128xf32, #tpu.memory_space<vmem>>
    tpu.enqueue_dma source(%dma_start3A_201 : memref<64x128xf32, #tpu.memory_space<vmem>>) target(%dma_start3A_198 : memref<64x128xf32, #tpu.memory_space<hbm>>) target_semaphore(%arg20 : memref<!tpu.dma_semaphore, #tpu.memory_space<semaphore_mem>>)
    %dma_wait3A_202 = arith.constant 94 : i32
    %dma_wait3A_203 = arith.constant 256 : i32
    %dma_wait3A_204 = arith.constant 0 : i32
    %dma_wait3A_205 = tpu.memref_slice %arg6[%dma_wait3A_203, %dma_wait3A_204] : memref<640x128xf32, #tpu.memory_space<vmem>> -> memref<64x128xf32, #tpu.memory_space<vmem>>
    %dma_wait3A_206 = arith.constant 0 : i32
    %dma_wait3A_207 = tpu.memref_slice %arg5[%dma_wait3A_202, %dma_wait3A_206] : memref<100x64xi32, #tpu.memory_space<vmem>> -> memref<1x64xi32, #tpu.memory_space<vmem>>
    %dma_wait3A_208 = tpu.memref_squeeze %dma_wait3A_207 : memref<1x64xi32, #tpu.memory_space<vmem>> -> memref<64xi32, #tpu.memory_space<vmem>>
    %dma_wait3A_209 = arith.constant 0 : i32
    %dma_wait3A_210 = arith.constant 0 : i32
    %dma_wait3A_211 = tpu.memref_slice %arg3[%dma_wait3A_209, %dma_wait3A_210] : memref<1000000x128xf32, #tpu.memory_space<hbm>> -> memref<1000000x128xf32, #tpu.memory_space<hbm>>
    tpu.wait_indirect_dma semaphore(%arg11 : memref<!tpu.dma_semaphore, #tpu.memory_space<semaphore_mem>>) src(%dma_wait3A_211 : memref<1000000x128xf32, #tpu.memory_space<hbm>>) dst(%dma_wait3A_205 : memref<64x128xf32, #tpu.memory_space<vmem>>)
    %add3A_212 = arith.constant 94 : i32
    %add3A_213 = arith.addi %mul3A_2, %add3A_212 : i32
    %mul3A_214 = arith.constant 64 : i32
    %mul3A_215 = arith.muli %add3A_213, %mul3A_214 : i32
    %dma_start3A_216 = arith.constant 256 : i32
    %dma_start3A_217 = arith.constant 0 : i32
    %dma_start3A_218 = tpu.memref_slice %arg6[%dma_start3A_216, %dma_start3A_217] : memref<640x128xf32, #tpu.memory_space<vmem>> -> memref<64x128xf32, #tpu.memory_space<vmem>>
    %dma_start3A_219 = arith.constant 0 : i32
    %dma_start3A_220 = tpu.memref_slice %arg4[%mul3A_215, %dma_start3A_219] : memref<204800x128xf32, #tpu.memory_space<hbm>> -> memref<64x128xf32, #tpu.memory_space<hbm>>
    %dma_start3A_221 = arith.constant 0 : i32
    %dma_start3A_222 = tpu.memref_slice %arg4[%mul3A_215, %dma_start3A_221] : memref<204800x128xf32, #tpu.memory_space<hbm>> -> memref<64x128xf32, #tpu.memory_space<hbm>>
    %dma_start3A_223 = arith.constant 256 : i32
    %dma_start3A_224 = arith.constant 0 : i32
    %dma_start3A_225 = tpu.memref_slice %arg6[%dma_start3A_223, %dma_start3A_224] : memref<640x128xf32, #tpu.memory_space<vmem>> -> memref<64x128xf32, #tpu.memory_space<vmem>>
    tpu.enqueue_dma source(%dma_start3A_225 : memref<64x128xf32, #tpu.memory_space<vmem>>) target(%dma_start3A_222 : memref<64x128xf32, #tpu.memory_space<hbm>>) target_semaphore(%arg21 : memref<!tpu.dma_semaphore, #tpu.memory_space<semaphore_mem>>)
    %dma_wait3A_226 = arith.constant 95 : i32
    %dma_wait3A_227 = arith.constant 320 : i32
    %dma_wait3A_228 = arith.constant 0 : i32
    %dma_wait3A_229 = tpu.memref_slice %arg6[%dma_wait3A_227, %dma_wait3A_228] : memref<640x128xf32, #tpu.memory_space<vmem>> -> memref<64x128xf32, #tpu.memory_space<vmem>>
    %dma_wait3A_230 = arith.constant 0 : i32
    %dma_wait3A_231 = tpu.memref_slice %arg5[%dma_wait3A_226, %dma_wait3A_230] : memref<100x64xi32, #tpu.memory_space<vmem>> -> memref<1x64xi32, #tpu.memory_space<vmem>>
    %dma_wait3A_232 = tpu.memref_squeeze %dma_wait3A_231 : memref<1x64xi32, #tpu.memory_space<vmem>> -> memref<64xi32, #tpu.memory_space<vmem>>
    %dma_wait3A_233 = arith.constant 0 : i32
    %dma_wait3A_234 = arith.constant 0 : i32
    %dma_wait3A_235 = tpu.memref_slice %arg3[%dma_wait3A_233, %dma_wait3A_234] : memref<1000000x128xf32, #tpu.memory_space<hbm>> -> memref<1000000x128xf32, #tpu.memory_space<hbm>>
    tpu.wait_indirect_dma semaphore(%arg12 : memref<!tpu.dma_semaphore, #tpu.memory_space<semaphore_mem>>) src(%dma_wait3A_235 : memref<1000000x128xf32, #tpu.memory_space<hbm>>) dst(%dma_wait3A_229 : memref<64x128xf32, #tpu.memory_space<vmem>>)
    %add3A_236 = arith.constant 95 : i32
    %add3A_237 = arith.addi %mul3A_2, %add3A_236 : i32
    %mul3A_238 = arith.constant 64 : i32
    %mul3A_239 = arith.muli %add3A_237, %mul3A_238 : i32
    %dma_start3A_240 = arith.constant 320 : i32
    %dma_start3A_241 = arith.constant 0 : i32
    %dma_start3A_242 = tpu.memref_slice %arg6[%dma_start3A_240, %dma_start3A_241] : memref<640x128xf32, #tpu.memory_space<vmem>> -> memref<64x128xf32, #tpu.memory_space<vmem>>
    %dma_start3A_243 = arith.constant 0 : i32
    %dma_start3A_244 = tpu.memref_slice %arg4[%mul3A_239, %dma_start3A_243] : memref<204800x128xf32, #tpu.memory_space<hbm>> -> memref<64x128xf32, #tpu.memory_space<hbm>>
    %dma_start3A_245 = arith.constant 0 : i32
    %dma_start3A_246 = tpu.memref_slice %arg4[%mul3A_239, %dma_start3A_245] : memref<204800x128xf32, #tpu.memory_space<hbm>> -> memref<64x128xf32, #tpu.memory_space<hbm>>
    %dma_start3A_247 = arith.constant 320 : i32
    %dma_start3A_248 = arith.constant 0 : i32
    %dma_start3A_249 = tpu.memref_slice %arg6[%dma_start3A_247, %dma_start3A_248] : memref<640x128xf32, #tpu.memory_space<vmem>> -> memref<64x128xf32, #tpu.memory_space<vmem>>
    tpu.enqueue_dma source(%dma_start3A_249 : memref<64x128xf32, #tpu.memory_space<vmem>>) target(%dma_start3A_246 : memref<64x128xf32, #tpu.memory_space<hbm>>) target_semaphore(%arg22 : memref<!tpu.dma_semaphore, #tpu.memory_space<semaphore_mem>>)
    %dma_wait3A_250 = arith.constant 96 : i32
    %dma_wait3A_251 = arith.constant 384 : i32
    %dma_wait3A_252 = arith.constant 0 : i32
    %dma_wait3A_253 = tpu.memref_slice %arg6[%dma_wait3A_251, %dma_wait3A_252] : memref<640x128xf32, #tpu.memory_space<vmem>> -> memref<64x128xf32, #tpu.memory_space<vmem>>
    %dma_wait3A_254 = arith.constant 0 : i32
    %dma_wait3A_255 = tpu.memref_slice %arg5[%dma_wait3A_250, %dma_wait3A_254] : memref<100x64xi32, #tpu.memory_space<vmem>> -> memref<1x64xi32, #tpu.memory_space<vmem>>
    %dma_wait3A_256 = tpu.memref_squeeze %dma_wait3A_255 : memref<1x64xi32, #tpu.memory_space<vmem>> -> memref<64xi32, #tpu.memory_space<vmem>>
    %dma_wait3A_257 = arith.constant 0 : i32
    %dma_wait3A_258 = arith.constant 0 : i32
    %dma_wait3A_259 = tpu.memref_slice %arg3[%dma_wait3A_257, %dma_wait3A_258] : memref<1000000x128xf32, #tpu.memory_space<hbm>> -> memref<1000000x128xf32, #tpu.memory_space<hbm>>
    tpu.wait_indirect_dma semaphore(%arg13 : memref<!tpu.dma_semaphore, #tpu.memory_space<semaphore_mem>>) src(%dma_wait3A_259 : memref<1000000x128xf32, #tpu.memory_space<hbm>>) dst(%dma_wait3A_253 : memref<64x128xf32, #tpu.memory_space<vmem>>)
    %add3A_260 = arith.constant 96 : i32
    %add3A_261 = arith.addi %mul3A_2, %add3A_260 : i32
    %mul3A_262 = arith.constant 64 : i32
    %mul3A_263 = arith.muli %add3A_261, %mul3A_262 : i32
    %dma_start3A_264 = arith.constant 384 : i32
    %dma_start3A_265 = arith.constant 0 : i32
    %dma_start3A_266 = tpu.memref_slice %arg6[%dma_start3A_264, %dma_start3A_265] : memref<640x128xf32, #tpu.memory_space<vmem>> -> memref<64x128xf32, #tpu.memory_space<vmem>>
    %dma_start3A_267 = arith.constant 0 : i32
    %dma_start3A_268 = tpu.memref_slice %arg4[%mul3A_263, %dma_start3A_267] : memref<204800x128xf32, #tpu.memory_space<hbm>> -> memref<64x128xf32, #tpu.memory_space<hbm>>
    %dma_start3A_269 = arith.constant 0 : i32
    %dma_start3A_270 = tpu.memref_slice %arg4[%mul3A_263, %dma_start3A_269] : memref<204800x128xf32, #tpu.memory_space<hbm>> -> memref<64x128xf32, #tpu.memory_space<hbm>>
    %dma_start3A_271 = arith.constant 384 : i32
    %dma_start3A_272 = arith.constant 0 : i32
    %dma_start3A_273 = tpu.memref_slice %arg6[%dma_start3A_271, %dma_start3A_272] : memref<640x128xf32, #tpu.memory_space<vmem>> -> memref<64x128xf32, #tpu.memory_space<vmem>>
    tpu.enqueue_dma source(%dma_start3A_273 : memref<64x128xf32, #tpu.memory_space<vmem>>) target(%dma_start3A_270 : memref<64x128xf32, #tpu.memory_space<hbm>>) target_semaphore(%arg23 : memref<!tpu.dma_semaphore, #tpu.memory_space<semaphore_mem>>)
    %dma_wait3A_274 = arith.constant 97 : i32
    %dma_wait3A_275 = arith.constant 448 : i32
    %dma_wait3A_276 = arith.constant 0 : i32
    %dma_wait3A_277 = tpu.memref_slice %arg6[%dma_wait3A_275, %dma_wait3A_276] : memref<640x128xf32, #tpu.memory_space<vmem>> -> memref<64x128xf32, #tpu.memory_space<vmem>>
    %dma_wait3A_278 = arith.constant 0 : i32
    %dma_wait3A_279 = tpu.memref_slice %arg5[%dma_wait3A_274, %dma_wait3A_278] : memref<100x64xi32, #tpu.memory_space<vmem>> -> memref<1x64xi32, #tpu.memory_space<vmem>>
    %dma_wait3A_280 = tpu.memref_squeeze %dma_wait3A_279 : memref<1x64xi32, #tpu.memory_space<vmem>> -> memref<64xi32, #tpu.memory_space<vmem>>
    %dma_wait3A_281 = arith.constant 0 : i32
    %dma_wait3A_282 = arith.constant 0 : i32
    %dma_wait3A_283 = tpu.memref_slice %arg3[%dma_wait3A_281, %dma_wait3A_282] : memref<1000000x128xf32, #tpu.memory_space<hbm>> -> memref<1000000x128xf32, #tpu.memory_space<hbm>>
    tpu.wait_indirect_dma semaphore(%arg14 : memref<!tpu.dma_semaphore, #tpu.memory_space<semaphore_mem>>) src(%dma_wait3A_283 : memref<1000000x128xf32, #tpu.memory_space<hbm>>) dst(%dma_wait3A_277 : memref<64x128xf32, #tpu.memory_space<vmem>>)
    %add3A_284 = arith.constant 97 : i32
    %add3A_285 = arith.addi %mul3A_2, %add3A_284 : i32
    %mul3A_286 = arith.constant 64 : i32
    %mul3A_287 = arith.muli %add3A_285, %mul3A_286 : i32
    %dma_start3A_288 = arith.constant 448 : i32
    %dma_start3A_289 = arith.constant 0 : i32
    %dma_start3A_290 = tpu.memref_slice %arg6[%dma_start3A_288, %dma_start3A_289] : memref<640x128xf32, #tpu.memory_space<vmem>> -> memref<64x128xf32, #tpu.memory_space<vmem>>
    %dma_start3A_291 = arith.constant 0 : i32
    %dma_start3A_292 = tpu.memref_slice %arg4[%mul3A_287, %dma_start3A_291] : memref<204800x128xf32, #tpu.memory_space<hbm>> -> memref<64x128xf32, #tpu.memory_space<hbm>>
    %dma_start3A_293 = arith.constant 0 : i32
    %dma_start3A_294 = tpu.memref_slice %arg4[%mul3A_287, %dma_start3A_293] : memref<204800x128xf32, #tpu.memory_space<hbm>> -> memref<64x128xf32, #tpu.memory_space<hbm>>
    %dma_start3A_295 = arith.constant 448 : i32
    %dma_start3A_296 = arith.constant 0 : i32
    %dma_start3A_297 = tpu.memref_slice %arg6[%dma_start3A_295, %dma_start3A_296] : memref<640x128xf32, #tpu.memory_space<vmem>> -> memref<64x128xf32, #tpu.memory_space<vmem>>
    tpu.enqueue_dma source(%dma_start3A_297 : memref<64x128xf32, #tpu.memory_space<vmem>>) target(%dma_start3A_294 : memref<64x128xf32, #tpu.memory_space<hbm>>) target_semaphore(%arg24 : memref<!tpu.dma_semaphore, #tpu.memory_space<semaphore_mem>>)
    %dma_wait3A_298 = arith.constant 98 : i32
    %dma_wait3A_299 = arith.constant 512 : i32
    %dma_wait3A_300 = arith.constant 0 : i32
    %dma_wait3A_301 = tpu.memref_slice %arg6[%dma_wait3A_299, %dma_wait3A_300] : memref<640x128xf32, #tpu.memory_space<vmem>> -> memref<64x128xf32, #tpu.memory_space<vmem>>
    %dma_wait3A_302 = arith.constant 0 : i32
    %dma_wait3A_303 = tpu.memref_slice %arg5[%dma_wait3A_298, %dma_wait3A_302] : memref<100x64xi32, #tpu.memory_space<vmem>> -> memref<1x64xi32, #tpu.memory_space<vmem>>
    %dma_wait3A_304 = tpu.memref_squeeze %dma_wait3A_303 : memref<1x64xi32, #tpu.memory_space<vmem>> -> memref<64xi32, #tpu.memory_space<vmem>>
    %dma_wait3A_305 = arith.constant 0 : i32
    %dma_wait3A_306 = arith.constant 0 : i32
    %dma_wait3A_307 = tpu.memref_slice %arg3[%dma_wait3A_305, %dma_wait3A_306] : memref<1000000x128xf32, #tpu.memory_space<hbm>> -> memref<1000000x128xf32, #tpu.memory_space<hbm>>
    tpu.wait_indirect_dma semaphore(%arg15 : memref<!tpu.dma_semaphore, #tpu.memory_space<semaphore_mem>>) src(%dma_wait3A_307 : memref<1000000x128xf32, #tpu.memory_space<hbm>>) dst(%dma_wait3A_301 : memref<64x128xf32, #tpu.memory_space<vmem>>)
    %add3A_308 = arith.constant 98 : i32
    %add3A_309 = arith.addi %mul3A_2, %add3A_308 : i32
    %mul3A_310 = arith.constant 64 : i32
    %mul3A_311 = arith.muli %add3A_309, %mul3A_310 : i32
    %dma_start3A_312 = arith.constant 512 : i32
    %dma_start3A_313 = arith.constant 0 : i32
    %dma_start3A_314 = tpu.memref_slice %arg6[%dma_start3A_312, %dma_start3A_313] : memref<640x128xf32, #tpu.memory_space<vmem>> -> memref<64x128xf32, #tpu.memory_space<vmem>>
    %dma_start3A_315 = arith.constant 0 : i32
    %dma_start3A_316 = tpu.memref_slice %arg4[%mul3A_311, %dma_start3A_315] : memref<204800x128xf32, #tpu.memory_space<hbm>> -> memref<64x128xf32, #tpu.memory_space<hbm>>
    %dma_start3A_317 = arith.constant 0 : i32
    %dma_start3A_318 = tpu.memref_slice %arg4[%mul3A_311, %dma_start3A_317] : memref<204800x128xf32, #tpu.memory_space<hbm>> -> memref<64x128xf32, #tpu.memory_space<hbm>>
    %dma_start3A_319 = arith.constant 512 : i32
    %dma_start3A_320 = arith.constant 0 : i32
    %dma_start3A_321 = tpu.memref_slice %arg6[%dma_start3A_319, %dma_start3A_320] : memref<640x128xf32, #tpu.memory_space<vmem>> -> memref<64x128xf32, #tpu.memory_space<vmem>>
    tpu.enqueue_dma source(%dma_start3A_321 : memref<64x128xf32, #tpu.memory_space<vmem>>) target(%dma_start3A_318 : memref<64x128xf32, #tpu.memory_space<hbm>>) target_semaphore(%arg25 : memref<!tpu.dma_semaphore, #tpu.memory_space<semaphore_mem>>)
    %dma_wait3A_322 = arith.constant 99 : i32
    %dma_wait3A_323 = arith.constant 576 : i32
    %dma_wait3A_324 = arith.constant 0 : i32
    %dma_wait3A_325 = tpu.memref_slice %arg6[%dma_wait3A_323, %dma_wait3A_324] : memref<640x128xf32, #tpu.memory_space<vmem>> -> memref<64x128xf32, #tpu.memory_space<vmem>>
    %dma_wait3A_326 = arith.constant 0 : i32
    %dma_wait3A_327 = tpu.memref_slice %arg5[%dma_wait3A_322, %dma_wait3A_326] : memref<100x64xi32, #tpu.memory_space<vmem>> -> memref<1x64xi32, #tpu.memory_space<vmem>>
    %dma_wait3A_328 = tpu.memref_squeeze %dma_wait3A_327 : memref<1x64xi32, #tpu.memory_space<vmem>> -> memref<64xi32, #tpu.memory_space<vmem>>
    %dma_wait3A_329 = arith.constant 0 : i32
    %dma_wait3A_330 = arith.constant 0 : i32
    %dma_wait3A_331 = tpu.memref_slice %arg3[%dma_wait3A_329, %dma_wait3A_330] : memref<1000000x128xf32, #tpu.memory_space<hbm>> -> memref<1000000x128xf32, #tpu.memory_space<hbm>>
    tpu.wait_indirect_dma semaphore(%arg16 : memref<!tpu.dma_semaphore, #tpu.memory_space<semaphore_mem>>) src(%dma_wait3A_331 : memref<1000000x128xf32, #tpu.memory_space<hbm>>) dst(%dma_wait3A_325 : memref<64x128xf32, #tpu.memory_space<vmem>>)
    %add3A_332 = arith.constant 99 : i32
    %add3A_333 = arith.addi %mul3A_2, %add3A_332 : i32
    %mul3A_334 = arith.constant 64 : i32
    %mul3A_335 = arith.muli %add3A_333, %mul3A_334 : i32
    %dma_start3A_336 = arith.constant 576 : i32
    %dma_start3A_337 = arith.constant 0 : i32
    %dma_start3A_338 = tpu.memref_slice %arg6[%dma_start3A_336, %dma_start3A_337] : memref<640x128xf32, #tpu.memory_space<vmem>> -> memref<64x128xf32, #tpu.memory_space<vmem>>
    %dma_start3A_339 = arith.constant 0 : i32
    %dma_start3A_340 = tpu.memref_slice %arg4[%mul3A_335, %dma_start3A_339] : memref<204800x128xf32, #tpu.memory_space<hbm>> -> memref<64x128xf32, #tpu.memory_space<hbm>>
    %dma_start3A_341 = arith.constant 0 : i32
    %dma_start3A_342 = tpu.memref_slice %arg4[%mul3A_335, %dma_start3A_341] : memref<204800x128xf32, #tpu.memory_space<hbm>> -> memref<64x128xf32, #tpu.memory_space<hbm>>
    %dma_start3A_343 = arith.constant 576 : i32
    %dma_start3A_344 = arith.constant 0 : i32
    %dma_start3A_345 = tpu.memref_slice %arg6[%dma_start3A_343, %dma_start3A_344] : memref<640x128xf32, #tpu.memory_space<vmem>> -> memref<64x128xf32, #tpu.memory_space<vmem>>
    tpu.enqueue_dma source(%dma_start3A_345 : memref<64x128xf32, #tpu.memory_space<vmem>>) target(%dma_start3A_342 : memref<64x128xf32, #tpu.memory_space<hbm>>) target_semaphore(%arg26 : memref<!tpu.dma_semaphore, #tpu.memory_space<semaphore_mem>>)
    %add3A_346 = arith.constant 90 : i32
    %add3A_347 = arith.addi %mul3A_2, %add3A_346 : i32
    %mul3A_348 = arith.constant 64 : i32
    %mul3A_349 = arith.muli %add3A_347, %mul3A_348 : i32
    %dma_wait3A_350 = arith.constant 0 : i32
    %dma_wait3A_351 = arith.constant 0 : i32
    %dma_wait3A_352 = tpu.memref_slice %arg6[%dma_wait3A_350, %dma_wait3A_351] : memref<640x128xf32, #tpu.memory_space<vmem>> -> memref<64x128xf32, #tpu.memory_space<vmem>>
    %dma_wait3A_353 = arith.constant 0 : i32
    %dma_wait3A_354 = tpu.memref_slice %arg4[%mul3A_349, %dma_wait3A_353] : memref<204800x128xf32, #tpu.memory_space<hbm>> -> memref<64x128xf32, #tpu.memory_space<hbm>>
    %dma_wait3A_355 = arith.constant 0 : i32
    %dma_wait3A_356 = tpu.memref_slice %arg4[%mul3A_349, %dma_wait3A_355] : memref<204800x128xf32, #tpu.memory_space<hbm>> -> memref<64x128xf32, #tpu.memory_space<hbm>>
    %dma_wait3A_357 = arith.constant 0 : i32
    %dma_wait3A_358 = arith.constant 0 : i32
    %dma_wait3A_359 = tpu.memref_slice %arg6[%dma_wait3A_357, %dma_wait3A_358] : memref<640x128xf32, #tpu.memory_space<vmem>> -> memref<64x128xf32, #tpu.memory_space<vmem>>
    tpu.wait_dma2 semaphore(%arg17 : memref<!tpu.dma_semaphore, #tpu.memory_space<semaphore_mem>>) src(%dma_wait3A_359 : memref<64x128xf32, #tpu.memory_space<vmem>>) dst(%dma_wait3A_356 : memref<64x128xf32, #tpu.memory_space<hbm>>)
    %add3A_360 = arith.constant 91 : i32
    %add3A_361 = arith.addi %mul3A_2, %add3A_360 : i32
    %mul3A_362 = arith.constant 64 : i32
    %mul3A_363 = arith.muli %add3A_361, %mul3A_362 : i32
    %dma_wait3A_364 = arith.constant 64 : i32
    %dma_wait3A_365 = arith.constant 0 : i32
    %dma_wait3A_366 = tpu.memref_slice %arg6[%dma_wait3A_364, %dma_wait3A_365] : memref<640x128xf32, #tpu.memory_space<vmem>> -> memref<64x128xf32, #tpu.memory_space<vmem>>
    %dma_wait3A_367 = arith.constant 0 : i32
    %dma_wait3A_368 = tpu.memref_slice %arg4[%mul3A_363, %dma_wait3A_367] : memref<204800x128xf32, #tpu.memory_space<hbm>> -> memref<64x128xf32, #tpu.memory_space<hbm>>
    %dma_wait3A_369 = arith.constant 0 : i32
    %dma_wait3A_370 = tpu.memref_slice %arg4[%mul3A_363, %dma_wait3A_369] : memref<204800x128xf32, #tpu.memory_space<hbm>> -> memref<64x128xf32, #tpu.memory_space<hbm>>
    %dma_wait3A_371 = arith.constant 64 : i32
    %dma_wait3A_372 = arith.constant 0 : i32
    %dma_wait3A_373 = tpu.memref_slice %arg6[%dma_wait3A_371, %dma_wait3A_372] : memref<640x128xf32, #tpu.memory_space<vmem>> -> memref<64x128xf32, #tpu.memory_space<vmem>>
    tpu.wait_dma2 semaphore(%arg18 : memref<!tpu.dma_semaphore, #tpu.memory_space<semaphore_mem>>) src(%dma_wait3A_373 : memref<64x128xf32, #tpu.memory_space<vmem>>) dst(%dma_wait3A_370 : memref<64x128xf32, #tpu.memory_space<hbm>>)
    %add3A_374 = arith.constant 92 : i32
    %add3A_375 = arith.addi %mul3A_2, %add3A_374 : i32
    %mul3A_376 = arith.constant 64 : i32
    %mul3A_377 = arith.muli %add3A_375, %mul3A_376 : i32
    %dma_wait3A_378 = arith.constant 128 : i32
    %dma_wait3A_379 = arith.constant 0 : i32
    %dma_wait3A_380 = tpu.memref_slice %arg6[%dma_wait3A_378, %dma_wait3A_379] : memref<640x128xf32, #tpu.memory_space<vmem>> -> memref<64x128xf32, #tpu.memory_space<vmem>>
    %dma_wait3A_381 = arith.constant 0 : i32
    %dma_wait3A_382 = tpu.memref_slice %arg4[%mul3A_377, %dma_wait3A_381] : memref<204800x128xf32, #tpu.memory_space<hbm>> -> memref<64x128xf32, #tpu.memory_space<hbm>>
    %dma_wait3A_383 = arith.constant 0 : i32
    %dma_wait3A_384 = tpu.memref_slice %arg4[%mul3A_377, %dma_wait3A_383] : memref<204800x128xf32, #tpu.memory_space<hbm>> -> memref<64x128xf32, #tpu.memory_space<hbm>>
    %dma_wait3A_385 = arith.constant 128 : i32
    %dma_wait3A_386 = arith.constant 0 : i32
    %dma_wait3A_387 = tpu.memref_slice %arg6[%dma_wait3A_385, %dma_wait3A_386] : memref<640x128xf32, #tpu.memory_space<vmem>> -> memref<64x128xf32, #tpu.memory_space<vmem>>
    tpu.wait_dma2 semaphore(%arg19 : memref<!tpu.dma_semaphore, #tpu.memory_space<semaphore_mem>>) src(%dma_wait3A_387 : memref<64x128xf32, #tpu.memory_space<vmem>>) dst(%dma_wait3A_384 : memref<64x128xf32, #tpu.memory_space<hbm>>)
    %add3A_388 = arith.constant 93 : i32
    %add3A_389 = arith.addi %mul3A_2, %add3A_388 : i32
    %mul3A_390 = arith.constant 64 : i32
    %mul3A_391 = arith.muli %add3A_389, %mul3A_390 : i32
    %dma_wait3A_392 = arith.constant 192 : i32
    %dma_wait3A_393 = arith.constant 0 : i32
    %dma_wait3A_394 = tpu.memref_slice %arg6[%dma_wait3A_392, %dma_wait3A_393] : memref<640x128xf32, #tpu.memory_space<vmem>> -> memref<64x128xf32, #tpu.memory_space<vmem>>
    %dma_wait3A_395 = arith.constant 0 : i32
    %dma_wait3A_396 = tpu.memref_slice %arg4[%mul3A_391, %dma_wait3A_395] : memref<204800x128xf32, #tpu.memory_space<hbm>> -> memref<64x128xf32, #tpu.memory_space<hbm>>
    %dma_wait3A_397 = arith.constant 0 : i32
    %dma_wait3A_398 = tpu.memref_slice %arg4[%mul3A_391, %dma_wait3A_397] : memref<204800x128xf32, #tpu.memory_space<hbm>> -> memref<64x128xf32, #tpu.memory_space<hbm>>
    %dma_wait3A_399 = arith.constant 192 : i32
    %dma_wait3A_400 = arith.constant 0 : i32
    %dma_wait3A_401 = tpu.memref_slice %arg6[%dma_wait3A_399, %dma_wait3A_400] : memref<640x128xf32, #tpu.memory_space<vmem>> -> memref<64x128xf32, #tpu.memory_space<vmem>>
    tpu.wait_dma2 semaphore(%arg20 : memref<!tpu.dma_semaphore, #tpu.memory_space<semaphore_mem>>) src(%dma_wait3A_401 : memref<64x128xf32, #tpu.memory_space<vmem>>) dst(%dma_wait3A_398 : memref<64x128xf32, #tpu.memory_space<hbm>>)
    %add3A_402 = arith.constant 94 : i32
    %add3A_403 = arith.addi %mul3A_2, %add3A_402 : i32
    %mul3A_404 = arith.constant 64 : i32
    %mul3A_405 = arith.muli %add3A_403, %mul3A_404 : i32
    %dma_wait3A_406 = arith.constant 256 : i32
    %dma_wait3A_407 = arith.constant 0 : i32
    %dma_wait3A_408 = tpu.memref_slice %arg6[%dma_wait3A_406, %dma_wait3A_407] : memref<640x128xf32, #tpu.memory_space<vmem>> -> memref<64x128xf32, #tpu.memory_space<vmem>>
    %dma_wait3A_409 = arith.constant 0 : i32
    %dma_wait3A_410 = tpu.memref_slice %arg4[%mul3A_405, %dma_wait3A_409] : memref<204800x128xf32, #tpu.memory_space<hbm>> -> memref<64x128xf32, #tpu.memory_space<hbm>>
    %dma_wait3A_411 = arith.constant 0 : i32
    %dma_wait3A_412 = tpu.memref_slice %arg4[%mul3A_405, %dma_wait3A_411] : memref<204800x128xf32, #tpu.memory_space<hbm>> -> memref<64x128xf32, #tpu.memory_space<hbm>>
    %dma_wait3A_413 = arith.constant 256 : i32
    %dma_wait3A_414 = arith.constant 0 : i32
    %dma_wait3A_415 = tpu.memref_slice %arg6[%dma_wait3A_413, %dma_wait3A_414] : memref<640x128xf32, #tpu.memory_space<vmem>> -> memref<64x128xf32, #tpu.memory_space<vmem>>
    tpu.wait_dma2 semaphore(%arg21 : memref<!tpu.dma_semaphore, #tpu.memory_space<semaphore_mem>>) src(%dma_wait3A_415 : memref<64x128xf32, #tpu.memory_space<vmem>>) dst(%dma_wait3A_412 : memref<64x128xf32, #tpu.memory_space<hbm>>)
    %add3A_416 = arith.constant 95 : i32
    %add3A_417 = arith.addi %mul3A_2, %add3A_416 : i32
    %mul3A_418 = arith.constant 64 : i32
    %mul3A_419 = arith.muli %add3A_417, %mul3A_418 : i32
    %dma_wait3A_420 = arith.constant 320 : i32
    %dma_wait3A_421 = arith.constant 0 : i32
    %dma_wait3A_422 = tpu.memref_slice %arg6[%dma_wait3A_420, %dma_wait3A_421] : memref<640x128xf32, #tpu.memory_space<vmem>> -> memref<64x128xf32, #tpu.memory_space<vmem>>
    %dma_wait3A_423 = arith.constant 0 : i32
    %dma_wait3A_424 = tpu.memref_slice %arg4[%mul3A_419, %dma_wait3A_423] : memref<204800x128xf32, #tpu.memory_space<hbm>> -> memref<64x128xf32, #tpu.memory_space<hbm>>
    %dma_wait3A_425 = arith.constant 0 : i32
    %dma_wait3A_426 = tpu.memref_slice %arg4[%mul3A_419, %dma_wait3A_425] : memref<204800x128xf32, #tpu.memory_space<hbm>> -> memref<64x128xf32, #tpu.memory_space<hbm>>
    %dma_wait3A_427 = arith.constant 320 : i32
    %dma_wait3A_428 = arith.constant 0 : i32
    %dma_wait3A_429 = tpu.memref_slice %arg6[%dma_wait3A_427, %dma_wait3A_428] : memref<640x128xf32, #tpu.memory_space<vmem>> -> memref<64x128xf32, #tpu.memory_space<vmem>>
    tpu.wait_dma2 semaphore(%arg22 : memref<!tpu.dma_semaphore, #tpu.memory_space<semaphore_mem>>) src(%dma_wait3A_429 : memref<64x128xf32, #tpu.memory_space<vmem>>) dst(%dma_wait3A_426 : memref<64x128xf32, #tpu.memory_space<hbm>>)
    %add3A_430 = arith.constant 96 : i32
    %add3A_431 = arith.addi %mul3A_2, %add3A_430 : i32
    %mul3A_432 = arith.constant 64 : i32
    %mul3A_433 = arith.muli %add3A_431, %mul3A_432 : i32
    %dma_wait3A_434 = arith.constant 384 : i32
    %dma_wait3A_435 = arith.constant 0 : i32
    %dma_wait3A_436 = tpu.memref_slice %arg6[%dma_wait3A_434, %dma_wait3A_435] : memref<640x128xf32, #tpu.memory_space<vmem>> -> memref<64x128xf32, #tpu.memory_space<vmem>>
    %dma_wait3A_437 = arith.constant 0 : i32
    %dma_wait3A_438 = tpu.memref_slice %arg4[%mul3A_433, %dma_wait3A_437] : memref<204800x128xf32, #tpu.memory_space<hbm>> -> memref<64x128xf32, #tpu.memory_space<hbm>>
    %dma_wait3A_439 = arith.constant 0 : i32
    %dma_wait3A_440 = tpu.memref_slice %arg4[%mul3A_433, %dma_wait3A_439] : memref<204800x128xf32, #tpu.memory_space<hbm>> -> memref<64x128xf32, #tpu.memory_space<hbm>>
    %dma_wait3A_441 = arith.constant 384 : i32
    %dma_wait3A_442 = arith.constant 0 : i32
    %dma_wait3A_443 = tpu.memref_slice %arg6[%dma_wait3A_441, %dma_wait3A_442] : memref<640x128xf32, #tpu.memory_space<vmem>> -> memref<64x128xf32, #tpu.memory_space<vmem>>
    tpu.wait_dma2 semaphore(%arg23 : memref<!tpu.dma_semaphore, #tpu.memory_space<semaphore_mem>>) src(%dma_wait3A_443 : memref<64x128xf32, #tpu.memory_space<vmem>>) dst(%dma_wait3A_440 : memref<64x128xf32, #tpu.memory_space<hbm>>)
    %add3A_444 = arith.constant 97 : i32
    %add3A_445 = arith.addi %mul3A_2, %add3A_444 : i32
    %mul3A_446 = arith.constant 64 : i32
    %mul3A_447 = arith.muli %add3A_445, %mul3A_446 : i32
    %dma_wait3A_448 = arith.constant 448 : i32
    %dma_wait3A_449 = arith.constant 0 : i32
    %dma_wait3A_450 = tpu.memref_slice %arg6[%dma_wait3A_448, %dma_wait3A_449] : memref<640x128xf32, #tpu.memory_space<vmem>> -> memref<64x128xf32, #tpu.memory_space<vmem>>
    %dma_wait3A_451 = arith.constant 0 : i32
    %dma_wait3A_452 = tpu.memref_slice %arg4[%mul3A_447, %dma_wait3A_451] : memref<204800x128xf32, #tpu.memory_space<hbm>> -> memref<64x128xf32, #tpu.memory_space<hbm>>
    %dma_wait3A_453 = arith.constant 0 : i32
    %dma_wait3A_454 = tpu.memref_slice %arg4[%mul3A_447, %dma_wait3A_453] : memref<204800x128xf32, #tpu.memory_space<hbm>> -> memref<64x128xf32, #tpu.memory_space<hbm>>
    %dma_wait3A_455 = arith.constant 448 : i32
    %dma_wait3A_456 = arith.constant 0 : i32
    %dma_wait3A_457 = tpu.memref_slice %arg6[%dma_wait3A_455, %dma_wait3A_456] : memref<640x128xf32, #tpu.memory_space<vmem>> -> memref<64x128xf32, #tpu.memory_space<vmem>>
    tpu.wait_dma2 semaphore(%arg24 : memref<!tpu.dma_semaphore, #tpu.memory_space<semaphore_mem>>) src(%dma_wait3A_457 : memref<64x128xf32, #tpu.memory_space<vmem>>) dst(%dma_wait3A_454 : memref<64x128xf32, #tpu.memory_space<hbm>>)
    %add3A_458 = arith.constant 98 : i32
    %add3A_459 = arith.addi %mul3A_2, %add3A_458 : i32
    %mul3A_460 = arith.constant 64 : i32
    %mul3A_461 = arith.muli %add3A_459, %mul3A_460 : i32
    %dma_wait3A_462 = arith.constant 512 : i32
    %dma_wait3A_463 = arith.constant 0 : i32
    %dma_wait3A_464 = tpu.memref_slice %arg6[%dma_wait3A_462, %dma_wait3A_463] : memref<640x128xf32, #tpu.memory_space<vmem>> -> memref<64x128xf32, #tpu.memory_space<vmem>>
    %dma_wait3A_465 = arith.constant 0 : i32
    %dma_wait3A_466 = tpu.memref_slice %arg4[%mul3A_461, %dma_wait3A_465] : memref<204800x128xf32, #tpu.memory_space<hbm>> -> memref<64x128xf32, #tpu.memory_space<hbm>>
    %dma_wait3A_467 = arith.constant 0 : i32
    %dma_wait3A_468 = tpu.memref_slice %arg4[%mul3A_461, %dma_wait3A_467] : memref<204800x128xf32, #tpu.memory_space<hbm>> -> memref<64x128xf32, #tpu.memory_space<hbm>>
    %dma_wait3A_469 = arith.constant 512 : i32
    %dma_wait3A_470 = arith.constant 0 : i32
    %dma_wait3A_471 = tpu.memref_slice %arg6[%dma_wait3A_469, %dma_wait3A_470] : memref<640x128xf32, #tpu.memory_space<vmem>> -> memref<64x128xf32, #tpu.memory_space<vmem>>
    tpu.wait_dma2 semaphore(%arg25 : memref<!tpu.dma_semaphore, #tpu.memory_space<semaphore_mem>>) src(%dma_wait3A_471 : memref<64x128xf32, #tpu.memory_space<vmem>>) dst(%dma_wait3A_468 : memref<64x128xf32, #tpu.memory_space<hbm>>)
    %add3A_472 = arith.constant 99 : i32
    %add3A_473 = arith.addi %mul3A_2, %add3A_472 : i32
    %mul3A_474 = arith.constant 64 : i32
    %mul3A_475 = arith.muli %add3A_473, %mul3A_474 : i32
    %dma_wait3A_476 = arith.constant 576 : i32
    %dma_wait3A_477 = arith.constant 0 : i32
    %dma_wait3A_478 = tpu.memref_slice %arg6[%dma_wait3A_476, %dma_wait3A_477] : memref<640x128xf32, #tpu.memory_space<vmem>> -> memref<64x128xf32, #tpu.memory_space<vmem>>
    %dma_wait3A_479 = arith.constant 0 : i32
    %dma_wait3A_480 = tpu.memref_slice %arg4[%mul3A_475, %dma_wait3A_479] : memref<204800x128xf32, #tpu.memory_space<hbm>> -> memref<64x128xf32, #tpu.memory_space<hbm>>
    %dma_wait3A_481 = arith.constant 0 : i32
    %dma_wait3A_482 = tpu.memref_slice %arg4[%mul3A_475, %dma_wait3A_481] : memref<204800x128xf32, #tpu.memory_space<hbm>> -> memref<64x128xf32, #tpu.memory_space<hbm>>
    %dma_wait3A_483 = arith.constant 576 : i32
    %dma_wait3A_484 = arith.constant 0 : i32
    %dma_wait3A_485 = tpu.memref_slice %arg6[%dma_wait3A_483, %dma_wait3A_484] : memref<640x128xf32, #tpu.memory_space<vmem>> -> memref<64x128xf32, #tpu.memory_space<vmem>>
    tpu.wait_dma2 semaphore(%arg26 : memref<!tpu.dma_semaphore, #tpu.memory_space<semaphore_mem>>) src(%dma_wait3A_485 : memref<64x128xf32, #tpu.memory_space<vmem>>) dst(%dma_wait3A_482 : memref<64x128xf32, #tpu.memory_space<hbm>>)
    return
  }
}

</mosaic_0001>

<sc_bundles>
// kernel: kernel.3.cloned.1.call-start
scs
__scs_entry_jumppad:
0x0: {  	(pc) =	sbr.rel $0x88, $3  }
0x1: {  	(tag) =	ssettag $0x0;
	lr =	simm.s32 $0x1  }
0x2: {  	[smem:$0x3F9F] =	sst lr;
	_ =	strace $0xD0000000  }
0x3: {  	_ = 	snop  }
0x4: {  	_ = 	snop  }
0x5: {  	_ = 	snop  }
0x6: {  	_ = 	snop  }
0x7: {  	_ = 	snop  }
__scs_overlays_trampoline_lowered:
0x8: {  	[smem:$0x3FAE] =	sst s0  }
0x9: {  	[smem:$0x3FAF] =	sst s1  }
0xa: {  	[smem:$0x3FB0] =	sst s2  }
0xb: {  	[smem:$0x3FB1] =	sst s3  }
0xc: {  	[smem:$0x3FB2] =	sst s4  }
0xd: {  	[smem:$0x3FB3] =	sst s5  }
0xe: {  	[smem:$0x3FB4] =	sst s6  }
0xf: {  	[smem:$0x3FB5] =	sst s7  }
0x10: {  	[smem:$0x3FB6] =	sst s8  }
0x11: {  	[smem:$0x3FB7] =	sst s9;
	s0 =	simm.s32 @!p0 $0x0  }
0x12: {  	s1 =	sld [smem:$0x3F9D];
	s0 =	simm.s32 @p0 $0x1  }
0x13: {  	[smem:$0x3FB8] =	sst s0;
	s0 =	simm.s32 @!p1 $0x0  }
0x14: {  	s2 =	sld [smem:$0x3F9C];
	s0 =	simm.s32 @p1 $0x1  }
0x15: {  	[smem:$0x3FB9] =	sst s0;
	s0 =	simm.s32 @!p2 $0x0  }
0x16: {  	s3 =	sld [smem:$0x3FDB];
	s0 =	simm.s32 @p2 $0x1  }
0x17: {  	s4 =	simm.s32 $0x1BF5;
	[smem:$0x3FBB] =	sst s0  }
0x18: {  	s0 =	sld [smem:$0x3F9E];
	_ =	swait.ge [sflag:s4], $0x0  }
0x19: {  	s7 =	sld [smem:$0x3F9F]  }
0x1a: {  	s8 =	sadd.s32 $0xFFFFE003, lr  }
0x1b: {  	s9 =	sadd.s32 $0xFFFFFEF7, lr;
	s5 =	simm.s32 $0xFFFFFFFF;
	p2 =	slt.u32 s8, $0xFFFFF086  }
0x1c: {  	p1 =	slt.u32 s9, $0xF7A;
	s5 =	simm.s32 @!p2 $0x0  }
0x1d: {  	s5 =	simm.s32 @p1 $0x1;
	p0 =	seq.s32 s7, s2  }
0x1e: {  	s7 =	smul.u32 @!p0 $0xF7A, s2;
	p2 =	seq.s32 @!p0 s5, $0x0  }
0x1f: {  	s9 =	smul.u32 $0xF7A, s1;
	s8 =	simm.s32 @!p0 $0x1BF5;
	p2 =	por !p2, p0  }
0x20: {  	[sflag:s8] =	ssyncset.s32 @!p0 $0xFFFFF086;
	s6 =	sadd.s32 @!p0 s3, s7;
	s7 =	simm.s32 @!p0 $0x108  }
0x21: {  	s3 =	sadd.s32 s3, s9;
	s6 =	sadd.s32 @!p0 $0x88, s6;
	s7 =	simm.s32 @p2 $0x1082  }
0x22: {  	[simem:s7], [sflag:s8] =	dma.local @!p0 [hbm:s6], $0xF7A  }
0x23: {  	s9 =	sor.u32 $0xD0000000, s2;
	s6 =	simm.s32 $0x108;
	_ =	swait.ge @!p0 [sflag:s8], $0x0  }
0x24: {  	s3 =	sadd.s32 $0x88, s3;
	s6 =	simm.s32 @!p1 $0x1082;
	[sflag:s4] =	ssyncset.s32 $0xFFFFF086  }
0x25: {  	[simem:s6], [sflag:s4] =	dma.local [hbm:s3], $0xF7A  }
0x26: {  	[smem:$0x3F9F] =	sst s1;
	(tag) =	ssettag s2;
	_ =	strace s9  }
0x27: {  	s1 =	sld [smem:$0x3FAF]  }
0x28: {  	s2 =	sld [smem:$0x3FB0]  }
0x29: {  	s4 =	sld [smem:$0x3FB2]  }
0x2a: {  	p0 =	seq.s32 s5, $0x0;
	s5 =	sld [smem:$0x3FB3]  }
0x2b: {  	s6 =	sld [smem:$0x3FB4]  }
0x2c: {  	s7 =	sld [smem:$0x3FB5]  }
0x2d: {  	s3 =	simm.s32 $0x108;
	s8 =	sld [smem:$0x3FB6]  }
0x2e: {  	s3 =	simm.s32 @!p0 $0x1082;
	s9 =	sld [smem:$0x3FB7]  }
0x2f: {  	lr =	sadd.s32 s0, s3;
	s0 =	sld [smem:$0x3FAE]  }
0x30: {  	s3 =	sld [smem:$0x3FB1]  }
0x31: {  	[smem:$0x3FBA] =	sst s10  }
0x32: {  	s10 =	sld [smem:$0x3FB8];
	_ =	sdelay $0x3  }
0x33: {  	p0 =	seq.s32 s10, $0x1;
	s10 =	sld [smem:$0x3FBA];
	_ =	sdelay $0x3  }
0x34: {  	[smem:$0x3FBA] =	sst s10  }
0x35: {  	s10 =	sld [smem:$0x3FB9];
	_ =	sdelay $0x3  }
0x36: {  	p1 =	seq.s32 s10, $0x1;
	s10 =	sld [smem:$0x3FBA];
	_ =	sdelay $0x3  }
0x37: {  	[smem:$0x3FBA] =	sst s10  }
0x38: {  	s10 =	sld [smem:$0x3FBB]  }
0x39: {  	_ = 	snop;
	(pc) =	sbr.ind lr, $3  }
0x3a: {  	_ = 	snop  }
0x3b: {  	_ = 	snop  }
0x3c: {  	p2 =	seq.s32 s10, $0x1;
	s10 =	sld [smem:$0x3FBA]  }
0x3d: {  	_ =	shalt  }
0x3e: {  	_ =	shalt  }
0x3f: {  	_ =	shalt  }
0x40: {  	_ =	shalt  }
0x41: {  	_ =	shalt  }
0x42: {  	_ =	shalt  }
0x43: {  	_ =	shalt  }
0x44: {  	_ =	shalt  }
0x45: {  	_ =	shalt  }
0x46: {  	_ =	shalt  }
0x47: {  	_ =	shalt  }
0x48: {  	_ =	shalt  }
0x49: {  	_ =	shalt  }
0x4a: {  	_ =	shalt  }
0x4b: {  	_ =	shalt  }
0x4c: {  	_ =	shalt  }
0x4d: {  	_ =	shalt  }
0x4e: {  	_ =	shalt  }
0x4f: {  	_ =	shalt  }
0x50: {  	_ =	shalt  }
0x51: {  	_ =	shalt  }
0x52: {  	_ =	shalt  }
0x53: {  	_ =	shalt  }
0x54: {  	_ =	shalt  }
0x55: {  	_ =	shalt  }
0x56: {  	_ =	shalt  }
0x57: {  	_ =	shalt  }
0x58: {  	_ =	shalt  }
0x59: {  	_ =	shalt  }
0x5a: {  	_ =	shalt  }
0x5b: {  	_ =	shalt  }
0x5c: {  	_ =	shalt  }
0x5d: {  	_ =	shalt  }
0x5e: {  	_ =	shalt  }
0x5f: {  	_ =	shalt  }
0x60: {  	_ =	shalt  }
0x61: {  	_ =	shalt  }
0x62: {  	_ =	shalt  }
0x63: {  	_ =	shalt  }
0x64: {  	_ =	shalt  }
0x65: {  	_ =	shalt  }
0x66: {  	_ =	shalt  }
0x67: {  	_ =	shalt  }
0x68: {  	_ =	shalt  }
0x69: {  	_ =	shalt  }
0x6a: {  	_ =	shalt  }
0x6b: {  	_ =	shalt  }
0x6c: {  	_ =	shalt  }
0x6d: {  	_ =	shalt  }
0x6e: {  	_ =	shalt  }
0x6f: {  	_ =	shalt  }
0x70: {  	_ =	shalt  }
0x71: {  	_ =	shalt  }
0x72: {  	_ =	shalt  }
0x73: {  	_ =	shalt  }
0x74: {  	_ =	shalt  }
0x75: {  	_ =	shalt  }
0x76: {  	_ =	shalt  }
0x77: {  	_ =	shalt  }
0x78: {  	_ =	shalt  }
0x79: {  	_ =	shalt  }
0x7a: {  	_ =	shalt  }
0x7b: {  	_ =	shalt  }
0x7c: {  	_ =	shalt  }
0x7d: {  	_ =	shalt  }
0x7e: {  	_ =	shalt  }
0x7f: {  	_ =	shalt  }
0x80: {  	_ =	shalt  }
0x81: {  	_ =	shalt  }
0x82: {  	_ =	shalt  }
0x83: {  	_ =	shalt  }
0x84: {  	_ =	shalt  }
0x85: {  	_ =	shalt  }
0x86: {  	_ =	shalt  }
0x87: {  	_ =	shalt  }
.Lfunc_end0:
.L_simem_size_0:
called_computation_lowered:
.L_overlay_start_0:
0x88: {  	s2 =	sld [smem:$0x3FD9]  }
0x89: {  	s3 =	sld [smem:$0x3FFE];
	_ =	sdelay $0x1  }
0x8a: {  	s1 =	srdreg.scid  }
0x8b: {  	s0 =	sand.u32 $0x1, s1  }
0x8c: {  	s17 =	sshll.u32 s0, $0xA;
	s2 =	sadd.s32 s3, s2  }
0x8d: {  	s2 =	sadd.s32 s2, s17  }
0x8e: {  	[smem:$0x3FC6] =	sst s2  }
0x8f: {  	_ = 	snop  }
0x90: {  	s2 =	sld [smem:$0x3FC8]  }
0x91: {  	s18 =	sld [smem:$0x3FD0];
	(tm) =	ssettm $0x1  }
0x92: {  	s4 =	sld [smem:$0x3FFB];
	_ =	sdelay $0x3  }
0x93: {  	_ =	strace s4  }
0x94: {  	s4 =	sld [smem:$0x3FFC];
	_ =	sdelay $0x3  }
0x95: {  	_ =	strace s4  }
0x96: {  	s4 =	sld [smem:$0x3FFD];
	_ =	sdelay $0x3  }
0x97: {  	_ =	strace s4  }
0x98: {  	_ =	strace $0x8FFFFFFF  }
0x99: {  	s19 =	sld [smem:$0x3FDB];
	_ =	sdelay $0x1  }
0x9a: {  	s5 =	simm.s32 $_scs_section_size  }
0x9b: {  	s6 =	simm.s32 $_size__tile_overlayer_lowered;
	s7 =	simm.s32 $_tile_overlayer_lowered  }
0x9c: {  	s22 =	simm.s32 $0x1BFF;
	s21 =	sshll.u32 s7, $0x1;
	s4 =	sadd.s32 s5, s19  }
0x9d: {  	s8 =	simm.s32 $0x0;
	s20 =	sshll.u32 s6, $0x1;
	s6 =	sadd.s32 s21, s4  }
0x9e: {  	[timem:s8], [sflag:s22] =	dma.local [hbm:s6], s20  }
0x9f: {  	_ =	swait.ge [sflag:s22], s20  }
0xa0: {  	s5 =	ssub.s32 $0x0, s20;
	[sflag:s22] =	ssyncset.done $0x0  }
0xa1: {  	[sflag:s22] =	ssyncadd.s32 s5;
	_ =	sdelay $0x1  }
0xa2: {  	s23 =	simm.s32 $0x1B8B  }
0xa3: {  	_ =	swait.ge [sflag:s23], $0x1  }
0xa4: {  	[sflag:s23] =	ssyncset.done $0x0  }
0xa5: {  	s25 =	simm.s32 $0x1B8E;
	s24 =	sld [smem:$0x3FFE];
	[sflag:s23] =	ssyncadd.s32 $0xFFFFFFFF  }
0xa6: {  	s26 =	simm.s32 $execute0_lowered;
	[smem:$0x3FD2] =	sst s25  }
0xa7: {  	s6 =	sshll.u32 s26, $0x1;
	_ =	strace $0x80000046;
	[dreg:$0x1] =	wrdreg $0xFFFFFFFF  }
0xa8: {  	s28 =	simm.s32 $_size_execute0_lowered;
	s4 =	sadd.s32 s4, s6;
	[dreg:$0x0] =	wrdreg $0x0  }
0xa9: {  	s6 =	sshll.u32 s28, $0x1;
	[dreg:$0x2] =	wrdreg s4  }
0xaa: {  	[dreg:$0x3] =	wrdreg s6  }
0xab: {  	[dreg:$0x4] =	wrdreg $0xC0  }
0xac: {  	_ =	task [dreg:s8], $0x5FFFF  }
0xad: {  	[dreg:$0x1] =	wrdreg $0xFFFFFFFF  }
0xae: {  	[dreg:$0x0] =	wrdreg $0x60  }
0xaf: {  	[dreg:$0x2] =	wrdreg s24  }
0xb0: {  	[dreg:$0x3] =	wrdreg s2  }
0xb1: {  	[dreg:$0x4] =	wrdreg s18  }
0xb2: {  	[dreg:$0x5] =	wrdreg $0x9  }
0xb3: {  	_ =	task.clear_ibuf [dreg:s8], $0x6FFFF;
	_ =	strace $0x90000046  }
0xb4: {  	s29 =	simm.s32 $0x9;
	_ =	strace $0x80000048  }
0xb5: {  	_ =	swait.ge [sflag:s29], $0x1  }
0xb6: {  	[sflag:s29] =	ssyncadd.s32 $0xFFFFFFFF  }
0xb7: {  	_ =	strace $0x90000048  }
0xb8: {  	_ =	sfence  }
0xb9: {  	s30 =	sld [smem:$0x0];
	_ =	sdelay $0x2  }
0xba: {  	s31 =	sshll.u32 s1, $0xD;
	s1 =	sshrl.u32 s1, $0x2  }
0xbb: {  	s3 =	sand.u32 $0x4000, s31;
	s1 =	sadd.s32 s1, s30  }
0xbc: {  	s0 =	sor.u32 s3, s0;
	s1 =	sshll.u32 s1, $0x11  }
0xbd: {  	s0 =	sor.u32 s1, s0  }
0xbe: {  	s0 =	sadd.s32 $0x8F2B, s0  }
0xbf: {  	[sflag:s0] =	ssyncadd.remote.s32 $0x1  }
0xc0: {  	_ =	sfence.sel $0xFFFF  }
0xc1: {  	[dreg:$0x0] =	wrdreg $0xFFFFFFFF;
	(pc) =	sbr.abs _section_cstart, $3  }
0xc2: {  	[dreg:$0x1] =	wrdreg $0xFFFFFFFF  }
0xc3: {  	_ =	task.clear_ibuf [dreg:s8], $0x2FFFF;
	_ =	strace $0x9FFFFFFF  }
0xc4: {  	(tm) =	ssettm $0x7FFFFFFF  }
0xc5: {  	_ =	shalt  }
tec
execute0_lowered:
.L_overlay_start_1:
0x0: {  	(tag) =	ssettag $0x1  }
0x1: {  	s0 =	rddreg [dreg:$0x0]  }
0x2: {  	s2 =	rddreg [dreg:$0x1];
	s9 =	stileid.u32  }
0x3: {  	s1 =	srdreg.scid;
	s6 =	smul.u32 $0xC8, s9  }
0x4: {  	s10 =	rddreg [dreg:$0x2];
	s1 =	sand.u32 $0x1, s1;
	s25 =	smul.u32 $0x32000, s9  }
0x5: {  	s4 =	simm.s32 $0x0;
	s3 =	sshll.u32 s9, $0x1;
	s8 =	smul.u32 $0x64, s1  }
0x6: {  	s3 =	sor.u32 s1, s3;
	s12 =	ssub.s32 $0x2, s1;
	s1 =	smul.u32 $0x19000, s1  }
0x7: {  	[smem:$0x7FF] =	sst s4;
	s5 =	smul.u32 $0x680, s3  }
0x8: {  	_ =	strace $0x80000047;
	s15 =	sadd.s32 s8, s6;
	s1 =	sadd.s32 s1, s25  }
0x9: {  	s0 =	sadd.s32 s5, s0;
	s21 =	sshll.u32 s15, $0xA;
	[dreg:$0x9] =	wrdreg s1  }
0xa: {  	s0 =	sadd.s32 $0x400, s0;
	[dreg:$0xa] =	wrdreg s21  }
0xb: {  	s20 =	sadd.s32 $0x2400, s21;
	[dreg:$0xb] =	wrdreg s0  }
0xc: {  	s3 =	smul.u32 $0xC8000, s3;
	s23 =	sadd.s32 $0x2000, s21;
	[dreg:$0x4] =	wrdreg s20  }
0xd: {  	s7 =	sshrl.u32 s12, $0x1;
	s24 =	sadd.s32 $0x1000, s21;
	[dreg:$0x5] =	wrdreg s23  }
0xe: {  	s3 =	sshrl.u32 s3, $0x3;
	s26 =	sadd.s32 $0x1800, s21;
	[dreg:$0x6] =	wrdreg s24  }
0xf: {  	s5 =	ssub.s32 s12, s7;
	s29 =	sor.u32 $0x800, s21;
	[dreg:$0x7] =	wrdreg s26  }
0x10: {  	s13 =	sadd.s32 s10, s3;
	s31 =	smax.u32 s5, $0x1;
	[dreg:$0x8] =	wrdreg s29  }
0x11: {  	s3 =	sadd.s32 $0x16800, s13;
	[dreg:$0x16] =	wrdreg s31  }
0x12: {  	s14 =	sadd.s32 $0x16C00, s13;
	[dreg:$0xc] =	wrdreg s3  }
0x13: {  	s16 =	sadd.s32 $0x17000, s13;
	[dreg:$0xd] =	wrdreg s14  }
0x14: {  	s11 =	simm.s32 $0x9;
	s17 =	sadd.s32 $0x17400, s13;
	[dreg:$0xe] =	wrdreg s16  }
0x15: {  	s9 =	simm.s32 $0x8;
	s18 =	sadd.s32 $0x17800, s13;
	[dreg:$0xf] =	wrdreg s17  }
0x16: {  	s12 =	simm.s32 $0xA;
	s19 =	sadd.s32 $0x17C00, s13;
	[dreg:$0x10] =	wrdreg s18  }
0x17: {  	s15 =	simm.s32 $0xD;
	s22 =	sadd.s32 $0x18000, s13;
	[dreg:$0x11] =	wrdreg s19  }
0x18: {  	s1 =	simm.s32 $0x0;
	s28 =	sadd.s32 $0x18400, s13;
	[dreg:$0x12] =	wrdreg s22  }
0x19: {  	s10 =	simm.s32 $0x12;
	s30 =	sadd.s32 $0x18800, s13;
	[dreg:$0x13] =	wrdreg s28  }
0x1a: {  	s0 =	sadd.s32 $0x18C00, s13;
	s13 =	simm.s32 $0xB;
	[dreg:$0x14] =	wrdreg s30  }
0x1b: {  	s20 =	simm.s32 $0x13;
	[dreg:$0x15] =	wrdreg s0;
	s19 =	simm.s32 $0x40  }
0x1c: {  	s14 =	simm.s32 $0xC;
	s16 =	simm.s32 $0xE;
	s17 =	simm.s32 $0xF  }
0x1d: {  	s18 =	simm.s32 $0x10;
	s3 =	simm.s32 $0x11;
	s22 =	simm.s32 $0x14  }
.LBB2_1:
0x1e: {  	[dreg:$0x17] =	wrdreg s1  }
0x1f: {  	s0 =	rddreg [dreg:$0xb];
	s25 =	simm.s32 $0x15  }
0x20: {  	[tilespmem:s4], [sflag:$0x15] =	stream.linear.gather [hbm4b:s0+s4], $0x3200, $0x38;
	[tilespmem:$0x17400] =	vst v63  }
0x21: {  	_ =	swait.ge [sflag:s25], $0x3200  }
0x22: {  	[sflag:s25] =	ssyncset.done $0x0  }
0x23: {  	s28 =	simm.s32 $0x3400;
	[sflag:s25] =	ssyncadd.s32 $0xFFFFCE00  }
0x24: {  	[tilespmem:s28], [sflag:$0x1] =	stream.indirect.gather [hbm4b:s2+s19], $0x80, s4, s19, $0xb8;
	[tilespmem:$0x17400] =	vst v63  }
0x25: {  	s26 =	simm.s32 $0x80;
	s1 =	simm.s32 $0x5400  }
0x26: {  	[tilespmem:s1], [sflag:$0x2] =	stream.indirect.gather [hbm4b:s2+s19], $0x80, s26, s19, $0xb8;
	[tilespmem:$0x17400] =	vst v63  }
0x27: {  	s30 =	simm.s32 $0x100;
	s29 =	simm.s32 $0x7400  }
0x28: {  	[tilespmem:s29], [sflag:$0x3] =	stream.indirect.gather [hbm4b:s2+s19], $0x80, s30, s19, $0xb8;
	[tilespmem:$0x17400] =	vst v63  }
0x29: {  	s31 =	simm.s32 $0x180;
	s23 =	simm.s32 $0x9400  }
0x2a: {  	[tilespmem:s23], [sflag:$0x4] =	stream.indirect.gather [hbm4b:s2+s19], $0x80, s31, s19, $0xb8;
	[tilespmem:$0x17400] =	vst v63  }
0x2b: {  	s5 =	simm.s32 $0x200;
	s25 =	simm.s32 $0xB400  }
0x2c: {  	[tilespmem:s25], [sflag:$0x5] =	stream.indirect.gather [hbm4b:s2+s19], $0x80, s5, s19, $0xb8;
	[tilespmem:$0x17400] =	vst v63  }
0x2d: {  	s6 =	simm.s32 $0x280;
	s30 =	simm.s32 $0xD400  }
0x2e: {  	[tilespmem:s30], [sflag:$0x6] =	stream.indirect.gather [hbm4b:s2+s19], $0x80, s6, s19, $0xb8;
	[tilespmem:$0x17400] =	vst v63  }
0x2f: {  	s7 =	simm.s32 $0x300;
	s5 =	simm.s32 $0xF400  }
0x30: {  	[tilespmem:s5], [sflag:$0x7] =	stream.indirect.gather [hbm4b:s2+s19], $0x80, s7, s19, $0xb8;
	[tilespmem:$0x17400] =	vst v63  }
0x31: {  	s8 =	simm.s32 $0x380;
	s31 =	simm.s32 $0x11400  }
0x32: {  	[tilespmem:s31], [sflag:$0x8] =	stream.indirect.gather [hbm4b:s2+s19], $0x80, s8, s19, $0xb8;
	[tilespmem:$0x17400] =	vst v63  }
0x33: {  	s24 =	simm.s32 $0x400;
	s6 =	simm.s32 $0x13400  }
0x34: {  	[tilespmem:s6], [sflag:$0x9] =	stream.indirect.gather [hbm4b:s2+s19], $0x80, s24, s19, $0xb8;
	[tilespmem:$0x17400] =	vst v63  }
0x35: {  	s26 =	simm.s32 $0x480;
	s7 =	simm.s32 $0x15400;
	s8 =	simm.s32 $0x1  }
0x36: {  	[tilespmem:s7], [sflag:$0xA] =	stream.indirect.gather [hbm4b:s2+s19], $0x80, s26, s19, $0xb8;
	[tilespmem:$0x17400] =	vst v63  }
0x37: {  	_ =	swait.ge [sflag:s8], $0x2000  }
0x38: {  	[sflag:s8] =	ssyncset.done $0x0  }
0x39: {  	s24 =	rddreg [dreg:$0x9];
	[sflag:s8] =	ssyncadd.s32 $0xFFFFE000  }
0x3a: {  	s0 =	rddreg [dreg:$0x2]  }
0x3b: {  	s8 =	simm.s32 $0x2;
	s24 =	sadd.s32 s0, s24  }
0x3c: {  	[hbm4b:s24+s4] =	stream.linear.scatter [tilespmem:s28], [sflag:$0xB], $0x2000, $0x38;
	[tilespmem:$0x17400] =	vst v63  }
0x3d: {  	_ =	swait.ge [sflag:s8], $0x2000  }
0x3e: {  	s24 =	sadd.s32 s0, s21;
	[sflag:s8] =	ssyncset.done $0x0  }
0x3f: {  	s26 =	sadd.s32 $0x400, s24;
	[sflag:s8] =	ssyncadd.s32 $0xFFFFE000  }
0x40: {  	[hbm4b:s26+s4] =	stream.linear.scatter [tilespmem:s1], [sflag:$0xC], $0x2000, $0x38;
	[tilespmem:$0x17400] =	vst v63  }
0x41: {  	s26 =	simm.s32 $0x3  }
0x42: {  	_ =	swait.ge [sflag:s26], $0x2000  }
0x43: {  	s21 =	rddreg [dreg:$0x8];
	[sflag:s26] =	ssyncset.done $0x0  }
0x44: {  	[sflag:s26] =	ssyncadd.s32 $0xFFFFE000;
	s26 =	sadd.s32 s0, s21;
	s21 =	simm.s32 $0x4  }
0x45: {  	[hbm4b:s26+s4] =	stream.linear.scatter [tilespmem:s29], [sflag:$0xD], $0x2000, $0x38;
	[tilespmem:$0x17400] =	vst v63  }
0x46: {  	_ =	swait.ge [sflag:s21], $0x2000  }
0x47: {  	[sflag:s21] =	ssyncset.done $0x0  }
0x48: {  	s24 =	sadd.s32 $0xC00, s24;
	s26 =	simm.s32 $0x5;
	[sflag:s21] =	ssyncadd.s32 $0xFFFFE000  }
0x49: {  	[hbm4b:s24+s4] =	stream.linear.scatter [tilespmem:s23], [sflag:$0xE], $0x2000, $0x38;
	[tilespmem:$0x17400] =	vst v63  }
0x4a: {  	_ =	swait.ge [sflag:s26], $0x2000  }
0x4b: {  	s21 =	rddreg [dreg:$0x6];
	[sflag:s26] =	ssyncset.done $0x0  }
0x4c: {  	[sflag:s26] =	ssyncadd.s32 $0xFFFFE000;
	s24 =	sadd.s32 s0, s21;
	s26 =	simm.s32 $0x6  }
0x4d: {  	[hbm4b:s24+s4] =	stream.linear.scatter [tilespmem:s25], [sflag:$0xF], $0x2000, $0x38;
	[tilespmem:$0x17400] =	vst v63  }
0x4e: {  	_ =	swait.ge [sflag:s26], $0x2000  }
0x4f: {  	[sflag:s26] =	ssyncset.done $0x0  }
0x50: {  	s21 =	sadd.s32 $0x400, s24;
	[sflag:s26] =	ssyncadd.s32 $0xFFFFE000;
	s26 =	simm.s32 $0x7  }
0x51: {  	[hbm4b:s21+s4] =	stream.linear.scatter [tilespmem:s30], [sflag:$0x10], $0x2000, $0x38;
	[tilespmem:$0x17400] =	vst v63  }
0x52: {  	_ =	swait.ge [sflag:s26], $0x2000  }
0x53: {  	s21 =	rddreg [dreg:$0x7];
	[sflag:s26] =	ssyncset.done $0x0  }
0x54: {  	[sflag:s26] =	ssyncadd.s32 $0xFFFFE000;
	s26 =	sadd.s32 s0, s21  }
0x55: {  	[hbm4b:s26+s4] =	stream.linear.scatter [tilespmem:s5], [sflag:$0x11], $0x2000, $0x38;
	[tilespmem:$0x17400] =	vst v63  }
0x56: {  	_ =	swait.ge [sflag:s9], $0x2000  }
0x57: {  	[sflag:s9] =	ssyncset.done $0x0  }
0x58: {  	s24 =	sadd.s32 $0xC00, s24;
	[sflag:s9] =	ssyncadd.s32 $0xFFFFE000  }
0x59: {  	[hbm4b:s24+s4] =	stream.linear.scatter [tilespmem:s31], [sflag:$0x12], $0x2000, $0x38;
	[tilespmem:$0x17400] =	vst v63  }
0x5a: {  	_ =	swait.ge [sflag:s11], $0x2000  }
0x5b: {  	s8 =	rddreg [dreg:$0x5];
	[sflag:s11] =	ssyncset.done $0x0  }
0x5c: {  	[sflag:s11] =	ssyncadd.s32 $0xFFFFE000;
	s24 =	sadd.s32 s0, s8  }
0x5d: {  	[hbm4b:s24+s4] =	stream.linear.scatter [tilespmem:s6], [sflag:$0x13], $0x2000, $0x38;
	[tilespmem:$0x17400] =	vst v63  }
0x5e: {  	_ =	swait.ge [sflag:s12], $0x2000  }
0x5f: {  	s21 =	rddreg [dreg:$0x4];
	[sflag:s12] =	ssyncset.done $0x0  }
0x60: {  	[sflag:s12] =	ssyncadd.s32 $0xFFFFE000;
	s24 =	sadd.s32 s0, s21  }
0x61: {  	[hbm4b:s24+s4] =	stream.linear.scatter [tilespmem:s7], [sflag:$0x14], $0x2000, $0x38;
	[tilespmem:$0x17400] =	vst v63  }
0x62: {  	_ =	swait.ge [sflag:s13], $0x2000  }
0x63: {  	[sflag:s13] =	ssyncset.done $0x0  }
0x64: {  	s26 =	simm.s32 $0x500;
	[sflag:s13] =	ssyncadd.s32 $0xFFFFE000  }
0x65: {  	[tilespmem:s28], [sflag:$0x1] =	stream.indirect.gather [hbm4b:s2+s19], $0x80, s26, s19, $0xb8;
	[tilespmem:$0x17400] =	vst v63  }
0x66: {  	_ =	swait.ge [sflag:s14], $0x2000  }
0x67: {  	[sflag:s14] =	ssyncset.done $0x0  }
0x68: {  	s7 =	simm.s32 $0x580;
	[sflag:s14] =	ssyncadd.s32 $0xFFFFE000  }
0x69: {  	[tilespmem:s1], [sflag:$0x2] =	stream.indirect.gather [hbm4b:s2+s19], $0x80, s7, s19, $0xb8;
	[tilespmem:$0x17400] =	vst v63  }
0x6a: {  	_ =	swait.ge [sflag:s15], $0x2000  }
0x6b: {  	[sflag:s15] =	ssyncset.done $0x0  }
0x6c: {  	s8 =	simm.s32 $0x600;
	[sflag:s15] =	ssyncadd.s32 $0xFFFFE000  }
0x6d: {  	[tilespmem:s29], [sflag:$0x3] =	stream.indirect.gather [hbm4b:s2+s19], $0x80, s8, s19, $0xb8;
	[tilespmem:$0x17400] =	vst v63  }
0x6e: {  	_ =	swait.ge [sflag:s16], $0x2000  }
0x6f: {  	[sflag:s16] =	ssyncset.done $0x0  }
0x70: {  	s21 =	simm.s32 $0x680;
	[sflag:s16] =	ssyncadd.s32 $0xFFFFE000  }
0x71: {  	[tilespmem:s23], [sflag:$0x4] =	stream.indirect.gather [hbm4b:s2+s19], $0x80, s21, s19, $0xb8;
	[tilespmem:$0x17400] =	vst v63  }
0x72: {  	_ =	swait.ge [sflag:s17], $0x2000  }
0x73: {  	[sflag:s17] =	ssyncset.done $0x0  }
0x74: {  	s23 =	simm.s32 $0x700;
	[sflag:s17] =	ssyncadd.s32 $0xFFFFE000  }
0x75: {  	[tilespmem:s25], [sflag:$0x5] =	stream.indirect.gather [hbm4b:s2+s19], $0x80, s23, s19, $0xb8;
	[tilespmem:$0x17400] =	vst v63  }
0x76: {  	_ =	swait.ge [sflag:s18], $0x2000  }
0x77: {  	[sflag:s18] =	ssyncset.done $0x0  }
0x78: {  	s26 =	simm.s32 $0x780;
	[sflag:s18] =	ssyncadd.s32 $0xFFFFE000  }
0x79: {  	[tilespmem:s30], [sflag:$0x6] =	stream.indirect.gather [hbm4b:s2+s19], $0x80, s26, s19, $0xb8;
	[tilespmem:$0x17400] =	vst v63  }
0x7a: {  	_ =	swait.ge [sflag:s3], $0x2000  }
0x7b: {  	[sflag:s3] =	ssyncset.done $0x0  }
0x7c: {  	s28 =	simm.s32 $0x800;
	[sflag:s3] =	ssyncadd.s32 $0xFFFFE000  }
0x7d: {  	[tilespmem:s5], [sflag:$0x7] =	stream.indirect.gather [hbm4b:s2+s19], $0x80, s28, s19, $0xb8;
	[tilespmem:$0x17400] =	vst v63  }
0x7e: {  	_ =	swait.ge [sflag:s10], $0x2000  }
0x7f: {  	[sflag:s10] =	ssyncset.done $0x0  }
0x80: {  	s30 =	simm.s32 $0x880;
	[sflag:s10] =	ssyncadd.s32 $0xFFFFE000  }
0x81: {  	[tilespmem:s31], [sflag:$0x8] =	stream.indirect.gather [hbm4b:s2+s19], $0x80, s30, s19, $0xb8;
	[tilespmem:$0x17400] =	vst v63  }
0x82: {  	_ =	swait.ge [sflag:s20], $0x2000  }
0x83: {  	[sflag:s20] =	ssyncset.done $0x0  }
0x84: {  	s31 =	simm.s32 $0x900;
	[sflag:s20] =	ssyncadd.s32 $0xFFFFE000  }
0x85: {  	[tilespmem:s6], [sflag:$0x9] =	stream.indirect.gather [hbm4b:s2+s19], $0x80, s31, s19, $0xb8;
	[tilespmem:$0x17400] =	vst v63  }
0x86: {  	_ =	swait.ge [sflag:s22], $0x2000  }
0x87: {  	s24 =	simm.s32 $0x1400;
	[sflag:s22] =	ssyncset.done $0x0  }
0x88: {  	s29 =	simm.s32 $0x980;
	s26 =	sadd.s32 $0x2800, s0;
	[sflag:s22] =	ssyncadd.s32 $0xFFFFE000  }
.LBB2_2:
0x89: {  	s8 =	simm.s32 $0x15400;
	s0 =	simm.s32 $0x1  }
0x8a: {  	[tilespmem:s8], [sflag:$0xA] =	stream.indirect.gather [hbm4b:s2+s19], $0x80, s29, s19, $0xb8;
	[tilespmem:$0x17400] =	vst v63  }
0x8b: {  	_ =	swait.ge [sflag:s0], $0x2000  }
0x8c: {  	s28 =	simm.s32 $0x3400;
	s31 =	rddreg [dreg:$0x9];
	[sflag:s0] =	ssyncset.done $0x0  }
0x8d: {  	s6 =	simm.s32 $0x2;
	[sflag:s0] =	ssyncadd.s32 $0xFFFFE000;
	s31 =	sadd.s32 s26, s31  }
0x8e: {  	[hbm4b:s31+s4] =	stream.linear.scatter [tilespmem:s28], [sflag:$0xB], $0x2000, $0x38;
	[tilespmem:$0x17400] =	vst v63  }
0x8f: {  	_ =	swait.ge [sflag:s6], $0x2000  }
0x90: {  	s1 =	rddreg [dreg:$0xa]  }
0x91: {  	s5 =	simm.s32 $0x3;
	[sflag:s6] =	ssyncset.done $0x0;
	s31 =	sadd.s32 s26, s1  }
0x92: {  	[sflag:s6] =	ssyncadd.s32 $0xFFFFE000;
	s1 =	simm.s32 $0x5400;
	s7 =	sadd.s32 $0x400, s31  }
0x93: {  	[hbm4b:s7+s4] =	stream.linear.scatter [tilespmem:s1], [sflag:$0xC], $0x2000, $0x38;
	[tilespmem:$0x17400] =	vst v63  }
0x94: {  	_ =	swait.ge [sflag:s5], $0x2000  }
0x95: {  	s23 =	simm.s32 $0x4;
	s21 =	rddreg [dreg:$0x8];
	[sflag:s5] =	ssyncset.done $0x0  }
0x96: {  	[sflag:s5] =	ssyncadd.s32 $0xFFFFE000;
	s0 =	sadd.s32 s26, s21;
	s21 =	simm.s32 $0x7400  }
0x97: {  	[hbm4b:s0+s4] =	stream.linear.scatter [tilespmem:s21], [sflag:$0xD], $0x2000, $0x38;
	[tilespmem:$0x17400] =	vst v63  }
0x98: {  	_ =	swait.ge [sflag:s23], $0x2000  }
0x99: {  	s25 =	sadd.s32 $0xC00, s31;
	[sflag:s23] =	ssyncset.done $0x0  }
0x9a: {  	s0 =	simm.s32 $0x5;
	[sflag:s23] =	ssyncadd.s32 $0xFFFFE000;
	s23 =	simm.s32 $0x9400  }
0x9b: {  	[hbm4b:s25+s4] =	stream.linear.scatter [tilespmem:s23], [sflag:$0xE], $0x2000, $0x38;
	[tilespmem:$0x17400] =	vst v63  }
0x9c: {  	_ =	swait.ge [sflag:s0], $0x2000  }
0x9d: {  	s7 =	simm.s32 $0x6;
	s6 =	rddreg [dreg:$0x6];
	[sflag:s0] =	ssyncset.done $0x0  }
0x9e: {  	s25 =	simm.s32 $0xB400;
	[sflag:s0] =	ssyncadd.s32 $0xFFFFE000;
	s0 =	sadd.s32 s26, s6  }
0x9f: {  	[hbm4b:s0+s4] =	stream.linear.scatter [tilespmem:s25], [sflag:$0xF], $0x2000, $0x38;
	[tilespmem:$0x17400] =	vst v63  }
0xa0: {  	_ =	swait.ge [sflag:s7], $0x2000  }
0xa1: {  	s30 =	simm.s32 $0xD400;
	[sflag:s7] =	ssyncset.done $0x0  }
0xa2: {  	s6 =	simm.s32 $0x7;
	s31 =	sadd.s32 $0x400, s0;
	[sflag:s7] =	ssyncadd.s32 $0xFFFFE000  }
0xa3: {  	[hbm4b:s31+s4] =	stream.linear.scatter [tilespmem:s30], [sflag:$0x10], $0x2000, $0x38;
	[tilespmem:$0x17400] =	vst v63  }
0xa4: {  	_ =	swait.ge [sflag:s6], $0x2000  }
0xa5: {  	s31 =	rddreg [dreg:$0x7];
	[sflag:s6] =	ssyncset.done $0x0  }
0xa6: {  	s5 =	simm.s32 $0xF400;
	[sflag:s6] =	ssyncadd.s32 $0xFFFFE000;
	s31 =	sadd.s32 s26, s31  }
0xa7: {  	[hbm4b:s31+s4] =	stream.linear.scatter [tilespmem:s5], [sflag:$0x11], $0x2000, $0x38;
	[tilespmem:$0x17400] =	vst v63  }
0xa8: {  	_ =	swait.ge [sflag:s9], $0x2000  }
0xa9: {  	[sflag:s9] =	ssyncset.done $0x0  }
0xaa: {  	s0 =	sadd.s32 $0xC00, s0;
	s6 =	simm.s32 $0x11400;
	[sflag:s9] =	ssyncadd.s32 $0xFFFFE000  }
0xab: {  	[hbm4b:s0+s4] =	stream.linear.scatter [tilespmem:s6], [sflag:$0x12], $0x2000, $0x38;
	[tilespmem:$0x17400] =	vst v63  }
0xac: {  	_ =	swait.ge [sflag:s11], $0x2000  }
0xad: {  	s7 =	rddreg [dreg:$0x5];
	[sflag:s11] =	ssyncset.done $0x0  }
0xae: {  	[sflag:s11] =	ssyncadd.s32 $0xFFFFE000;
	s0 =	sadd.s32 s26, s7;
	s7 =	simm.s32 $0x13400  }
0xaf: {  	[hbm4b:s0+s4] =	stream.linear.scatter [tilespmem:s7], [sflag:$0x13], $0x2000, $0x38;
	[tilespmem:$0x17400] =	vst v63  }
0xb0: {  	_ =	swait.ge [sflag:s12], $0x2000  }
0xb1: {  	s0 =	rddreg [dreg:$0x4];
	[sflag:s12] =	ssyncset.done $0x0  }
0xb2: {  	[sflag:s12] =	ssyncadd.s32 $0xFFFFE000;
	s0 =	sadd.s32 s26, s0  }
0xb3: {  	[hbm4b:s0+s4] =	stream.linear.scatter [tilespmem:s8], [sflag:$0x14], $0x2000, $0x38;
	[tilespmem:$0x17400] =	vst v63  }
0xb4: {  	s29 =	smov.u32 s24;
	_ =	swait.ge [sflag:s13], $0x2000  }
0xb5: {  	s29 =	sshra.s32 s29, $0x2;
	[sflag:s13] =	ssyncset.done $0x0  }
0xb6: {  	s8 =	sadd.s32 $0x500, s29;
	[sflag:s13] =	ssyncadd.s32 $0xFFFFE000  }
0xb7: {  	[tilespmem:s28], [sflag:$0x1] =	stream.indirect.gather [hbm4b:s2+s19], $0x80, s8, s19, $0xb8;
	[tilespmem:$0x17400] =	vst v63  }
0xb8: {  	_ =	swait.ge [sflag:s14], $0x2000  }
0xb9: {  	[sflag:s14] =	ssyncset.done $0x0  }
0xba: {  	s8 =	sadd.s32 $0x580, s29;
	[sflag:s14] =	ssyncadd.s32 $0xFFFFE000  }
0xbb: {  	[tilespmem:s1], [sflag:$0x2] =	stream.indirect.gather [hbm4b:s2+s19], $0x80, s8, s19, $0xb8;
	[tilespmem:$0x17400] =	vst v63  }
0xbc: {  	_ =	swait.ge [sflag:s15], $0x2000  }
0xbd: {  	[sflag:s15] =	ssyncset.done $0x0  }
0xbe: {  	s8 =	sadd.s32 $0x600, s29;
	[sflag:s15] =	ssyncadd.s32 $0xFFFFE000  }
0xbf: {  	[tilespmem:s21], [sflag:$0x3] =	stream.indirect.gather [hbm4b:s2+s19], $0x80, s8, s19, $0xb8;
	[tilespmem:$0x17400] =	vst v63  }
0xc0: {  	_ =	swait.ge [sflag:s16], $0x2000  }
0xc1: {  	[sflag:s16] =	ssyncset.done $0x0  }
0xc2: {  	s8 =	sadd.s32 $0x680, s29;
	[sflag:s16] =	ssyncadd.s32 $0xFFFFE000  }
0xc3: {  	[tilespmem:s23], [sflag:$0x4] =	stream.indirect.gather [hbm4b:s2+s19], $0x80, s8, s19, $0xb8;
	[tilespmem:$0x17400] =	vst v63  }
0xc4: {  	_ =	swait.ge [sflag:s17], $0x2000  }
0xc5: {  	[sflag:s17] =	ssyncset.done $0x0  }
0xc6: {  	s8 =	sadd.s32 $0x700, s29;
	[sflag:s17] =	ssyncadd.s32 $0xFFFFE000  }
0xc7: {  	[tilespmem:s25], [sflag:$0x5] =	stream.indirect.gather [hbm4b:s2+s19], $0x80, s8, s19, $0xb8;
	[tilespmem:$0x17400] =	vst v63  }
0xc8: {  	_ =	swait.ge [sflag:s18], $0x2000  }
0xc9: {  	[sflag:s18] =	ssyncset.done $0x0  }
0xca: {  	s8 =	sadd.s32 $0x780, s29;
	[sflag:s18] =	ssyncadd.s32 $0xFFFFE000  }
0xcb: {  	[tilespmem:s30], [sflag:$0x6] =	stream.indirect.gather [hbm4b:s2+s19], $0x80, s8, s19, $0xb8;
	[tilespmem:$0x17400] =	vst v63  }
0xcc: {  	_ =	swait.ge [sflag:s3], $0x2000  }
0xcd: {  	[sflag:s3] =	ssyncset.done $0x0  }
0xce: {  	s8 =	sadd.s32 $0x800, s29;
	[sflag:s3] =	ssyncadd.s32 $0xFFFFE000  }
0xcf: {  	[tilespmem:s5], [sflag:$0x7] =	stream.indirect.gather [hbm4b:s2+s19], $0x80, s8, s19, $0xb8;
	[tilespmem:$0x17400] =	vst v63  }
0xd0: {  	_ =	swait.ge [sflag:s10], $0x2000  }
0xd1: {  	p0 =	sne.s32 s24, $0xA000;
	s24 =	sadd.s32 $0x1400, s24;
	[sflag:s10] =	ssyncset.done $0x0  }
0xd2: {  	s31 =	simm.s32 $0x3400;
	s8 =	sadd.s32 $0x880, s29;
	[sflag:s10] =	ssyncadd.s32 $0xFFFFE000  }
0xd3: {  	[tilespmem:s6], [sflag:$0x8] =	stream.indirect.gather [hbm4b:s2+s19], $0x80, s8, s19, $0xb8;
	[tilespmem:$0x17400] =	vst v63  }
0xd4: {  	s26 =	sadd.s32 $0x2800, s26;
	s28 =	simm.s32 $0x5400;
	_ =	swait.ge [sflag:s20], $0x2000  }
0xd5: {  	s1 =	simm.s32 $0x7400;
	s21 =	simm.s32 $0x9400;
	[sflag:s20] =	ssyncset.done $0x0  }
.Ltmp0:
0xd6: {  	s8 =	sadd.s32 $0x900, s29;
	[sflag:s20] =	ssyncadd.s32 $0xFFFFE000;
	(pc) =	sbr.rel @p0 .LBB2_2-.Ltmp0, $4  }
0xd7: {  	[tilespmem:s7], [sflag:$0x9] =	stream.indirect.gather [hbm4b:s2+s19], $0x80, s8, s19, $0xb8;
	[tilespmem:$0x17400] =	vst v63  }
0xd8: {  	s23 =	simm.s32 $0xB400;
	s25 =	simm.s32 $0xD400;
	_ =	swait.ge [sflag:s22], $0x2000  }
0xd9: {  	s30 =	simm.s32 $0xF400;
	s5 =	simm.s32 $0x11400;
	[sflag:s22] =	ssyncset.done $0x0  }
0xda: {  	s6 =	simm.s32 $0x13400;
	s29 =	sadd.s32 $0x980, s29;
	[sflag:s22] =	ssyncadd.s32 $0xFFFFE000  }
0xdb: {  	s7 =	simm.s32 $0x15400;
	s0 =	simm.s32 $0x1  }
0xdc: {  	[tilespmem:s7], [sflag:$0xA] =	stream.indirect.gather [hbm4b:s2+s19], $0x80, s29, s19, $0xb8;
	[tilespmem:$0x17400] =	vst v63  }
0xdd: {  	_ =	swait.ge [sflag:s0], $0x2000  }
0xde: {  	[sflag:s0] =	ssyncset.done $0x0  }
0xdf: {  	s8 =	simm.s32 $0x2;
	s29 =	rddreg [dreg:$0xc];
	[sflag:s0] =	ssyncadd.s32 $0xFFFFE000  }
0xe0: {  	[hbm4b:s29+s4] =	stream.linear.scatter [tilespmem:s31], [sflag:$0xB], $0x2000, $0x38;
	[tilespmem:$0x17400] =	vst v63  }
0xe1: {  	_ =	swait.ge [sflag:s8], $0x2000  }
0xe2: {  	[sflag:s8] =	ssyncset.done $0x0  }
0xe3: {  	s26 =	simm.s32 $0x3;
	s24 =	rddreg [dreg:$0xd];
	[sflag:s8] =	ssyncadd.s32 $0xFFFFE000  }
0xe4: {  	[hbm4b:s24+s4] =	stream.linear.scatter [tilespmem:s28], [sflag:$0xC], $0x2000, $0x38;
	[tilespmem:$0x17400] =	vst v63  }
0xe5: {  	_ =	swait.ge [sflag:s26], $0x2000  }
0xe6: {  	[sflag:s26] =	ssyncset.done $0x0  }
0xe7: {  	s29 =	simm.s32 $0x4;
	s28 =	rddreg [dreg:$0xe];
	[sflag:s26] =	ssyncadd.s32 $0xFFFFE000  }
0xe8: {  	[hbm4b:s28+s4] =	stream.linear.scatter [tilespmem:s1], [sflag:$0xD], $0x2000, $0x38;
	[tilespmem:$0x17400] =	vst v63  }
0xe9: {  	_ =	swait.ge [sflag:s29], $0x2000  }
0xea: {  	[sflag:s29] =	ssyncset.done $0x0  }
0xeb: {  	s1 =	simm.s32 $0x5;
	s31 =	rddreg [dreg:$0xf];
	[sflag:s29] =	ssyncadd.s32 $0xFFFFE000  }
0xec: {  	[hbm4b:s31+s4] =	stream.linear.scatter [tilespmem:s21], [sflag:$0xE], $0x2000, $0x38;
	[tilespmem:$0x17400] =	vst v63  }
0xed: {  	_ =	swait.ge [sflag:s1], $0x2000  }
0xee: {  	[sflag:s1] =	ssyncset.done $0x0  }
0xef: {  	s21 =	simm.s32 $0x6;
	s8 =	rddreg [dreg:$0x10];
	[sflag:s1] =	ssyncadd.s32 $0xFFFFE000  }
0xf0: {  	[hbm4b:s8+s4] =	stream.linear.scatter [tilespmem:s23], [sflag:$0xF], $0x2000, $0x38;
	[tilespmem:$0x17400] =	vst v63  }
0xf1: {  	_ =	swait.ge [sflag:s21], $0x2000  }
0xf2: {  	[sflag:s21] =	ssyncset.done $0x0  }
0xf3: {  	s24 =	simm.s32 $0x7;
	s23 =	rddreg [dreg:$0x11];
	[sflag:s21] =	ssyncadd.s32 $0xFFFFE000  }
0xf4: {  	[hbm4b:s23+s4] =	stream.linear.scatter [tilespmem:s25], [sflag:$0x10], $0x2000, $0x38;
	[tilespmem:$0x17400] =	vst v63  }
0xf5: {  	_ =	swait.ge [sflag:s24], $0x2000  }
0xf6: {  	[sflag:s24] =	ssyncset.done $0x0  }
0xf7: {  	s25 =	rddreg [dreg:$0x12];
	[sflag:s24] =	ssyncadd.s32 $0xFFFFE000  }
0xf8: {  	[hbm4b:s25+s4] =	stream.linear.scatter [tilespmem:s30], [sflag:$0x11], $0x2000, $0x38;
	[tilespmem:$0x17400] =	vst v63  }
0xf9: {  	_ =	swait.ge [sflag:s9], $0x2000  }
0xfa: {  	[sflag:s9] =	ssyncset.done $0x0  }
0xfb: {  	s26 =	rddreg [dreg:$0x13];
	[sflag:s9] =	ssyncadd.s32 $0xFFFFE000  }
0xfc: {  	[hbm4b:s26+s4] =	stream.linear.scatter [tilespmem:s5], [sflag:$0x12], $0x2000, $0x38;
	[tilespmem:$0x17400] =	vst v63  }
0xfd: {  	_ =	swait.ge [sflag:s11], $0x2000  }
0xfe: {  	[sflag:s11] =	ssyncset.done $0x0  }
0xff: {  	s28 =	rddreg [dreg:$0x14];
	[sflag:s11] =	ssyncadd.s32 $0xFFFFE000  }
0x100: {  	[hbm4b:s28+s4] =	stream.linear.scatter [tilespmem:s6], [sflag:$0x13], $0x2000, $0x38;
	[tilespmem:$0x17400] =	vst v63  }
0x101: {  	_ =	swait.ge [sflag:s12], $0x2000  }
0x102: {  	[sflag:s12] =	ssyncset.done $0x0  }
0x103: {  	s29 =	rddreg [dreg:$0x15];
	[sflag:s12] =	ssyncadd.s32 $0xFFFFE000  }
0x104: {  	[hbm4b:s29+s4] =	stream.linear.scatter [tilespmem:s7], [sflag:$0x14], $0x2000, $0x38;
	[tilespmem:$0x17400] =	vst v63  }
0x105: {  	_ =	swait.ge [sflag:s13], $0x2000  }
0x106: {  	[sflag:s13] =	ssyncset.done $0x0  }
0x107: {  	[sflag:s13] =	ssyncadd.s32 $0xFFFFE000  }
0x108: {  	_ =	swait.ge [sflag:s14], $0x2000  }
0x109: {  	[sflag:s14] =	ssyncset.done $0x0  }
0x10a: {  	[sflag:s14] =	ssyncadd.s32 $0xFFFFE000  }
0x10b: {  	_ =	swait.ge [sflag:s15], $0x2000  }
0x10c: {  	[sflag:s15] =	ssyncset.done $0x0  }
0x10d: {  	[sflag:s15] =	ssyncadd.s32 $0xFFFFE000  }
0x10e: {  	_ =	swait.ge [sflag:s16], $0x2000  }
0x10f: {  	[sflag:s16] =	ssyncset.done $0x0  }
0x110: {  	[sflag:s16] =	ssyncadd.s32 $0xFFFFE000  }
0x111: {  	_ =	swait.ge [sflag:s17], $0x2000  }
0x112: {  	[sflag:s17] =	ssyncset.done $0x0  }
0x113: {  	[sflag:s17] =	ssyncadd.s32 $0xFFFFE000  }
0x114: {  	_ =	swait.ge [sflag:s18], $0x2000  }
0x115: {  	[sflag:s18] =	ssyncset.done $0x0  }
0x116: {  	[sflag:s18] =	ssyncadd.s32 $0xFFFFE000  }
0x117: {  	_ =	swait.ge [sflag:s3], $0x2000  }
0x118: {  	[sflag:s3] =	ssyncset.done $0x0  }
0x119: {  	[sflag:s3] =	ssyncadd.s32 $0xFFFFE000  }
0x11a: {  	_ =	swait.ge [sflag:s10], $0x2000  }
0x11b: {  	[sflag:s10] =	ssyncset.done $0x0  }
0x11c: {  	[sflag:s10] =	ssyncadd.s32 $0xFFFFE000  }
0x11d: {  	_ =	swait.ge [sflag:s20], $0x2000  }
0x11e: {  	[sflag:s20] =	ssyncset.done $0x0  }
0x11f: {  	[sflag:s20] =	ssyncadd.s32 $0xFFFFE000  }
0x120: {  	_ =	swait.ge [sflag:s22], $0x2000  }
0x121: {  	s30 =	rddreg [dreg:$0x17]  }
0x122: {  	s31 =	rddreg [dreg:$0x16];
	s1 =	sadd.s32 $0x1, s30  }
0x123: {  	p0 =	sne.s32 s1, s31  }
.Ltmp1:
0x124: {  	_ = 	snop;
	(pc) =	sbr.rel @p0 .LBB2_1-.Ltmp1, $3  }
0x125: {  	_ =	sdelay $0x1  }
0x126: {  	[sflag:s22] =	ssyncset.done $0x0  }
0x127: {  	s21 =	rddreg [dreg:$0xa];
	[sflag:s22] =	ssyncadd.s32 $0xFFFFE000  }
0x128: {  	_ =	sfence.sel $0x180000  }
0x129: {  	[bflag:$0x0] =	sbarrier.arrive $0xFFFF  }
0x12a: {  	_ =	strace $0x90000047  }
0x12b: {  	s0 =	stileid.u32;
	[bflag:$0x2] =	sbarrier.arrive $0xFFFF  }
0x12c: {  	p0 =	sne.s32 s0, $0x0;
	s0 =	rddreg [dreg:$0x3]  }
0x12d: {  	s0 =	sadd.s32 @!p0 $0x100000, s0  }
0x12e: {  	[sflag:s0] =	ssyncadd.tile.s32 @!p0 $0x1;
	_ =	shalt  }
.Lfunc_end2:
_tile_overlayer_lowered:
.L_overlay_start_2:
0x12f: {  	(tag) =	ssettag $0x2  }
0x130: {  	s0 =	rddreg [dreg:$0x0];
	s2 =	stileid.u32  }
0x131: {  	s1 =	rddreg [dreg:$0x1];
	p0 =	sne.s32 s2, $0x0  }
0x132: {  	s3 =	rddreg [dreg:$0x2];
	[bflag:$0x3] =	sbarrier.arrive $0xFFFF;
	s2 =	simm.s32 @!p0 $0x1C15  }
0x133: {  	[timem:s3], [sflag:s2] =	dma.local @!p0 [hbm:s0], s1  }
0x134: {  	s0 =	simm.s32 @!p0 $0x15  }
0x135: {  	_ =	swait.ge @!p0 [sflag:s0], s1  }
0x136: {  	s1 =	ssub.s32 @!p0 $0x0, s1;
	[sflag:s0] =	ssyncset.done @!p0 $0x0  }
0x137: {  	[sflag:s0] =	ssyncadd.s32 @!p0 s1  }
0x138: {  	[bflag:$0x3] =	sbarrier.arrive $0xFFFF  }
0x139: {  	_ =	shalt  }

</sc_bundles>
